<compile_context>
chip_gen: v7x
topology: tpu7x:2x2x1
jax: 0.10.2.dev20260603
libtpu: 0.0.44.dev20260713+nightly
codegen_flags: <defaults>
</compile_context>

<pallas_src>
import functools

import jax
import jax.numpy as jnp
from jax import lax
from jax.experimental import pallas as pl
from jax.experimental.pallas import tpu as pltpu
from jax.experimental.pallas import tpu_sc as plsc

N_NODES = 10000
N_EDGES = 320000
D = 128

NC = 2
NS = 16
NW = NC * NS
EPW = N_EDGES // NW
KA = 40
NCA = EPW // KA
K = 80
NCHUNK = EPW // K
NBLK = N_NODES // K
BPT = (NBLK + NS - 1) // NS

_SC_MESH = dict(core_axis_name="c", subcore_axis_name="s")


def _zero_rows(rows_v):
    kr = rows_v.shape[0]
    def zrow(i, carry):
        r = i // (D // 16)
        col = (i % (D // 16)) * 16
        rows_v[r, pl.ds(col, 16)] = jnp.zeros((16,), jnp.float32)
        return carry
    lax.fori_loop(0, kr * (D // 16), zrow, 0)


def _zero_shared(rows_v, sh, s, sem):
    kr = rows_v.shape[0]
    nblk = N_NODES // kr
    bpt = (nblk + NS - 1) // NS
    def zblk(b, carry):
        blk = b * NS + s
        @pl.when(blk < nblk)
        def _():
            pltpu.async_copy(rows_v, sh.at[pl.ds(blk * kr, kr)], sem)
        return carry
    lax.fori_loop(0, bpt, zblk, 0)

    def zdrain(b, carry):
        blk = b * NS + s
        @pl.when(blk < nblk)
        def _():
            pltpu.make_async_copy(rows_v, sh.at[pl.ds(blk * kr, kr)],
                                  sem).wait()
        return carry
    lax.fori_loop(0, bpt, zdrain, 0)


def _write_back(sh, out, c, s, sem):
    def wblk(b, carry):
        blk = b * NS + s
        @pl.when(blk < NBLK)
        def _():
            pltpu.async_copy(sh.at[pl.ds(blk * K, K)],
                             out.at[pl.ds(c * N_NODES + blk * K, K)], sem)
        return carry
    lax.fori_loop(0, BPT, wblk, 0)

    def wdrain(b, carry):
        blk = b * NS + s
        @pl.when(blk < NBLK)
        def _():
            pltpu.make_async_copy(
                sh.at[pl.ds(blk * K, K)],
                out.at[pl.ds(c * N_NODES + blk * K, K)], sem).wait()
        return carry
    lax.fori_loop(0, BPT, wdrain, 0)


def _sc_agg_cnt(x, src, dst):
    mesh = plsc.VectorSubcoreMesh(**_SC_MESH)

    @functools.partial(
        pl.kernel,
        out_type=[
            jax.ShapeDtypeStruct((NC * N_NODES, D), jnp.float32),
            jax.ShapeDtypeStruct((NC * N_NODES, D), jnp.float32),
        ],
        mesh=mesh,
        scratch_types=(
            [pltpu.VMEM((K,), jnp.int32)] * 4
            + [pltpu.VMEM((K,), jnp.int32)] * 4
            + [pltpu.VMEM((K, D), jnp.float32)] * 4
            + [pltpu.VMEM_SHARED((N_NODES, D), jnp.float32)]
            + [pltpu.SemaphoreType.DMA] * 12
        ),
    )
    def sc_kernel(x_hbm, src_hbm, dst_hbm, agg_out, cnt_out,
                  src0, src1, src2, src3, dst0, dst1, dst2, dst3,
                  rows0, rows1, rows2, rows3, sh,
                  sem_g0, sem_g1, sem_g2, sem_g3,
                  sem_s0, sem_s1, sem_s2, sem_s3,
                  sem_i0, sem_i1, sem_i2, sem_i3):
        c = lax.axis_index("c")
        s = lax.axis_index("s")
        wid = c * NS + s
        ebase = wid * EPW

        srcb = (src0, src1, src2, src3)
        dstb = (dst0, dst1, dst2, dst3)
        rows = (rows0, rows1, rows2, rows3)
        sem_g = (sem_g0, sem_g1, sem_g2, sem_g3)
        sem_s = (sem_s0, sem_s1, sem_s2, sem_s3)
        sem_i = (sem_i0, sem_i1, sem_i2, sem_i3)

        def fire_idx(i, b):
            pltpu.async_copy(src_hbm.at[pl.ds(ebase + i * K, K)], srcb[b],
                             sem_i[b])
            pltpu.async_copy(dst_hbm.at[pl.ds(ebase + i * K, K)], dstb[b],
                             sem_i[b])

        def wait_idx(i, b):
            pltpu.make_async_copy(src_hbm.at[pl.ds(ebase + i * K, K)],
                                  srcb[b], sem_i[b]).wait()
            pltpu.make_async_copy(dst_hbm.at[pl.ds(ebase + i * K, K)],
                                  dstb[b], sem_i[b]).wait()

        def start_gather(i, b):
            pltpu.async_copy(x_hbm.at[srcb[b]], rows[b], sem_g[b])

        def wait_gather(i, b):
            pltpu.make_async_copy(x_hbm.at[srcb[b]], rows[b],
                                  sem_g[b]).wait()

        def start_scatter(i, b):
            pltpu.async_copy(rows[b], sh.at[dstb[b]], sem_s[b], add=True)

        def wait_scatter(i, b):
            pltpu.make_async_copy(rows[b], sh.at[dstb[b]], sem_s[b]).wait()

        fire_idx(0, 0)
        fire_idx(1, 1)
        fire_idx(2, 2)
        _zero_rows(rows0)
        _zero_shared(rows0, sh, s, sem_g0)
        plsc.subcore_barrier()

        wait_idx(0, 0)
        start_gather(0, 0)
        wait_idx(1, 1)
        start_gather(1, 1)

        def step(i, b):
            b2 = (b + 2) % 4
            b3 = (b + 3) % 4
            @pl.when(i >= 1)
            def _():
                wait_scatter(i - 1, b3)
            @pl.when(i + 3 < NCHUNK)
            def _():
                fire_idx(i + 3, b3)
            @pl.when(i + 2 < NCHUNK)
            def _():
                wait_idx(i + 2, b2)
                start_gather(i + 2, b2)
            wait_gather(i, b)
            start_scatter(i, b)

        def quad(o, carry):
            step(4 * o, 0)
            step(4 * o + 1, 1)
            step(4 * o + 2, 2)
            step(4 * o + 3, 3)
            return carry
        lax.fori_loop(0, NCHUNK // 4, quad, 0)

        step(NCHUNK - 1, 0)
        wait_scatter(NCHUNK - 1, 0)

        plsc.subcore_barrier()
        _write_back(sh, agg_out, c, s, sem_g0)

        def fire_idx_d(i, b):
            pltpu.async_copy(dst_hbm.at[pl.ds(ebase + i * K, K)], dstb[b],
                             sem_i[b])

        def wait_idx_d(i, b):
            pltpu.make_async_copy(dst_hbm.at[pl.ds(ebase + i * K, K)],
                                  dstb[b], sem_i[b]).wait()

        def start_scatter_c(i, b):
            pltpu.async_copy(rows0, sh.at[dstb[b]], sem_s[b], add=True)

        def wait_scatter_c(i, b):
            pltpu.make_async_copy(rows0, sh.at[dstb[b]], sem_s[b]).wait()

        fire_idx_d(0, 0)
        fire_idx_d(1, 1)
        fire_idx_d(2, 2)

        _zero_rows(rows1)

        def orow(i, carry):
            r = i // (D // 16)
            col = (i % (D // 16)) * 16
            rows0[r, pl.ds(col, 16)] = jnp.ones((16,), jnp.float32)
            return carry
        lax.fori_loop(0, K * (D // 16), orow, 0)

        _zero_shared(rows1, sh, s, sem_g1)
        plsc.subcore_barrier()

        def step_c(i, b):
            b3 = (b + 3) % 4
            @pl.when(i >= 1)
            def _():
                wait_scatter_c(i - 1, b3)
            @pl.when(i + 3 < NCHUNK)
            def _():
                fire_idx_d(i + 3, b3)
            wait_idx_d(i, b)
            start_scatter_c(i, b)

        def quad_c(o, carry):
            step_c(4 * o, 0)
            step_c(4 * o + 1, 1)
            step_c(4 * o + 2, 2)
            step_c(4 * o + 3, 3)
            return carry
        lax.fori_loop(0, NCHUNK // 4, quad_c, 0)

        step_c(NCHUNK - 1, 0)
        wait_scatter_c(NCHUNK - 1, 0)

        plsc.subcore_barrier()
        _write_back(sh, cnt_out, c, s, sem_g0)

    return sc_kernel(x, src, dst)


def _tc_finish(aparts, cparts, x, wlT, bl, wrT):
    BR = 1000
    nb = N_NODES // BR

    def body(a0_r, a1_r, c0_r, c1_r, x_r, wl_r, bl_r, wr_r, o_r):
        agg = a0_r[...] + a1_r[...]
        cnt = c0_r[:, :1] + c1_r[:, :1]
        mean = agg / jnp.maximum(cnt, 1.0)
        acc = jnp.dot(mean, wl_r[...], preferred_element_type=jnp.float32)
        acc = acc + bl_r[...]
        acc = acc + jnp.dot(x_r[...], wr_r[...],
                            preferred_element_type=jnp.float32)
        o_r[...] = jnp.where(acc > 0.0, acc, jnp.exp(acc) - 1.0)

    return pl.pallas_call(
        body,
        grid=(nb,),
        in_specs=[
            pl.BlockSpec((BR, D), lambda i: (i, 0)),
            pl.BlockSpec((BR, D), lambda i: (i + nb, 0)),
            pl.BlockSpec((BR, D), lambda i: (i, 0)),
            pl.BlockSpec((BR, D), lambda i: (i + nb, 0)),
            pl.BlockSpec((BR, D), lambda i: (i, 0)),
            pl.BlockSpec((D, D), lambda i: (0, 0)),
            pl.BlockSpec((1, D), lambda i: (0, 0)),
            pl.BlockSpec((D, D), lambda i: (0, 0)),
        ],
        out_specs=pl.BlockSpec((BR, D), lambda i: (i, 0)),
        out_shape=jax.ShapeDtypeStruct((N_NODES, D), jnp.float32),
    )(aparts, aparts, cparts, cparts, x, wlT, bl, wrT)


def kernel(x, edge_index, W_l, b_l, W_r):
    src = edge_index[0].astype(jnp.int32)
    dst = edge_index[1].astype(jnp.int32)
    aparts, cparts = _sc_agg_cnt(x, src, dst)
    return _tc_finish(aparts, cparts, x, W_l.T, b_l.reshape(1, D), W_r.T)

# --- scband reference (transcript-rebuilt; emitter-appended) ---
"""Pipeline reference for scband-sageblock-28527172780472 (READ-ONLY COPY).

The authoritative reference and input builder live on the scoring server;
editing this copy changes nothing except your own understanding.
"""

import jax, jax.numpy as jnp
import numpy as np

N_NODES = 10000
N_EDGES = 320000
D_IN = 128
D_HID = 128

def setup_inputs(seed: int = 0) -> dict:
    key = jax.random.key(seed)
    k1, k2, k3, k4, k5 = jax.random.split(key, 5)
    x = jax.random.normal(k1, (N_NODES, D_IN), dtype=jnp.float32)
    edge_index = jax.random.randint(k2, (2, N_EDGES), 0, N_NODES, dtype=jnp.int64)
    # SAGEConv params: lin_l (applied to aggregated neighbors, with bias), lin_r (applied to root, no bias)
    scale = 1.0 / np.sqrt(D_IN)
    W_l = jax.random.uniform(k3, (D_HID, D_IN), dtype=jnp.float32, minval=-scale, maxval=scale)
    b_l = jax.random.uniform(k4, (D_HID,), dtype=jnp.float32, minval=-scale, maxval=scale)
    W_r = jax.random.uniform(k5, (D_HID, D_IN), dtype=jnp.float32, minval=-scale, maxval=scale)
    return {"x": x, "edge_index": edge_index, "W_l": W_l, "b_l": b_l, "W_r": W_r}

def reference(x, edge_index, W_l, b_l, W_r):
    src = edge_index[0]
    dst = edge_index[1]
    # gather source node features along edges
    x_j = jnp.take(x, src, axis=0)
    # mean aggregation at destination nodes (scatter-add + count)
    agg_sum = jax.ops.segment_sum(x_j, dst, num_segments=N_NODES)
    cnt = jax.ops.segment_sum(jnp.ones((x_j.shape[0],), dtype=x.dtype), dst, num_segments=N_NODES)
    agg = agg_sum / jnp.clip(cnt, 1.0, None)[:, None]
    # SAGEConv: lin_l(agg) + lin_r(x)
    out = agg @ W_l.T + b_l + x @ W_r.T
    # Sageblock: ELU activation (bn=False)
    return jax.nn.elu(out)

if __name__ == "__main__":
    import jax
    _d = setup_inputs()
    print(jax.jit(kernel)(*tuple(_d.values())))

</pallas_src>

<mosaic_0001>
#map = affine_map<(d0, d1) -> (0, 0)>
#map1 = affine_map<(d0, d1) -> (0)>
module attributes {stable_mosaic.version = 14 : i64} {
  func.func @sc_kernel(%arg0: i32, %arg1: i32, %arg2: memref<10000x128xf32, #tpu.memory_space<hbm>>, %arg3: memref<320000xi32, #tpu.memory_space<hbm>>, %arg4: memref<320000xi32, #tpu.memory_space<hbm>>, %arg5: memref<20000x128xf32, #tpu.memory_space<hbm>>, %arg6: memref<20000x128xf32, #tpu.memory_space<hbm>>, %arg7: memref<80xi32, #tpu.memory_space<vmem>>, %arg8: memref<80xi32, #tpu.memory_space<vmem>>, %arg9: memref<80xi32, #tpu.memory_space<vmem>>, %arg10: memref<80xi32, #tpu.memory_space<vmem>>, %arg11: memref<80xi32, #tpu.memory_space<vmem>>, %arg12: memref<80xi32, #tpu.memory_space<vmem>>, %arg13: memref<80xi32, #tpu.memory_space<vmem>>, %arg14: memref<80xi32, #tpu.memory_space<vmem>>, %arg15: memref<80x128xf32, #tpu.memory_space<vmem>>, %arg16: memref<80x128xf32, #tpu.memory_space<vmem>>, %arg17: memref<80x128xf32, #tpu.memory_space<vmem>>, %arg18: memref<80x128xf32, #tpu.memory_space<vmem>>, %arg19: memref<10000x128xf32, #tpu.memory_space<vmem_shared>>, %arg20: memref<!tpu.dma_semaphore, #tpu.memory_space<semaphore_mem>>, %arg21: memref<!tpu.dma_semaphore, #tpu.memory_space<semaphore_mem>>, %arg22: memref<!tpu.dma_semaphore, #tpu.memory_space<semaphore_mem>>, %arg23: memref<!tpu.dma_semaphore, #tpu.memory_space<semaphore_mem>>, %arg24: memref<!tpu.dma_semaphore, #tpu.memory_space<semaphore_mem>>, %arg25: memref<!tpu.dma_semaphore, #tpu.memory_space<semaphore_mem>>, %arg26: memref<!tpu.dma_semaphore, #tpu.memory_space<semaphore_mem>>, %arg27: memref<!tpu.dma_semaphore, #tpu.memory_space<semaphore_mem>>, %arg28: memref<!tpu.dma_semaphore, #tpu.memory_space<semaphore_mem>>, %arg29: memref<!tpu.dma_semaphore, #tpu.memory_space<semaphore_mem>>, %arg30: memref<!tpu.dma_semaphore, #tpu.memory_space<semaphore_mem>>, %arg31: memref<!tpu.dma_semaphore, #tpu.memory_space<semaphore_mem>>) attributes {dimension_semantics = [#tpu.dimension_semantics<core_parallel>, #tpu.dimension_semantics<subcore_parallel>], iteration_bounds = array<i64: 2, 16>, scalar_prefetch = 0 : i64, scratch_operands = 25 : i64, tpu.core_type = #tpu.core_type<sc_vector_subcore>, window_params = [{transform_indices = #map}, {transform_indices = #map1}, {transform_indices = #map1}, {transform_indices = #map}, {transform_indices = #map}]} {
    %mul3A = arith.constant 16 : i32
    %mul3A_0 = arith.muli %arg0, %mul3A : i32
    %add3A = arith.addi %mul3A_0, %arg1 : i32
    %mul3A_1 = arith.constant 10000 : i32
    %mul3A_2 = arith.muli %add3A, %mul3A_1 : i32
    %add3A_3 = arith.constant 0 : i32
    %add3A_4 = arith.addi %mul3A_2, %add3A_3 : i32
    %dma_start3A = tpu.memref_slice %arg3[%add3A_4] : memref<320000xi32, #tpu.memory_space<hbm>> -> memref<80xi32, #tpu.memory_space<hbm>>
    %dma_start3A_5 = tpu.memref_slice %arg3[%add3A_4] : memref<320000xi32, #tpu.memory_space<hbm>> -> memref<80xi32, #tpu.memory_space<hbm>>
    tpu.enqueue_dma source(%dma_start3A_5 : memref<80xi32, #tpu.memory_space<hbm>>) target(%arg7 : memref<80xi32, #tpu.memory_space<vmem>>) target_semaphore(%arg28 : memref<!tpu.dma_semaphore, #tpu.memory_space<semaphore_mem>>)
    %add3A_6 = arith.constant 0 : i32
    %add3A_7 = arith.addi %mul3A_2, %add3A_6 : i32
    %dma_start3A_8 = tpu.memref_slice %arg4[%add3A_7] : memref<320000xi32, #tpu.memory_space<hbm>> -> memref<80xi32, #tpu.memory_space<hbm>>
    %dma_start3A_9 = tpu.memref_slice %arg4[%add3A_7] : memref<320000xi32, #tpu.memory_space<hbm>> -> memref<80xi32, #tpu.memory_space<hbm>>
    tpu.enqueue_dma source(%dma_start3A_9 : memref<80xi32, #tpu.memory_space<hbm>>) target(%arg11 : memref<80xi32, #tpu.memory_space<vmem>>) target_semaphore(%arg28 : memref<!tpu.dma_semaphore, #tpu.memory_space<semaphore_mem>>)
    %add3A_10 = arith.constant 80 : i32
    %add3A_11 = arith.addi %mul3A_2, %add3A_10 : i32
    %dma_start3A_12 = tpu.memref_slice %arg3[%add3A_11] : memref<320000xi32, #tpu.memory_space<hbm>> -> memref<80xi32, #tpu.memory_space<hbm>>
    %dma_start3A_13 = tpu.memref_slice %arg3[%add3A_11] : memref<320000xi32, #tpu.memory_space<hbm>> -> memref<80xi32, #tpu.memory_space<hbm>>
    tpu.enqueue_dma source(%dma_start3A_13 : memref<80xi32, #tpu.memory_space<hbm>>) target(%arg8 : memref<80xi32, #tpu.memory_space<vmem>>) target_semaphore(%arg29 : memref<!tpu.dma_semaphore, #tpu.memory_space<semaphore_mem>>)
    %add3A_14 = arith.constant 80 : i32
    %add3A_15 = arith.addi %mul3A_2, %add3A_14 : i32
    %dma_start3A_16 = tpu.memref_slice %arg4[%add3A_15] : memref<320000xi32, #tpu.memory_space<hbm>> -> memref<80xi32, #tpu.memory_space<hbm>>
    %dma_start3A_17 = tpu.memref_slice %arg4[%add3A_15] : memref<320000xi32, #tpu.memory_space<hbm>> -> memref<80xi32, #tpu.memory_space<hbm>>
    tpu.enqueue_dma source(%dma_start3A_17 : memref<80xi32, #tpu.memory_space<hbm>>) target(%arg12 : memref<80xi32, #tpu.memory_space<vmem>>) target_semaphore(%arg29 : memref<!tpu.dma_semaphore, #tpu.memory_space<semaphore_mem>>)
    %add3A_18 = arith.constant 160 : i32
    %add3A_19 = arith.addi %mul3A_2, %add3A_18 : i32
    %dma_start3A_20 = tpu.memref_slice %arg3[%add3A_19] : memref<320000xi32, #tpu.memory_space<hbm>> -> memref<80xi32, #tpu.memory_space<hbm>>
    %dma_start3A_21 = tpu.memref_slice %arg3[%add3A_19] : memref<320000xi32, #tpu.memory_space<hbm>> -> memref<80xi32, #tpu.memory_space<hbm>>
    tpu.enqueue_dma source(%dma_start3A_21 : memref<80xi32, #tpu.memory_space<hbm>>) target(%arg9 : memref<80xi32, #tpu.memory_space<vmem>>) target_semaphore(%arg30 : memref<!tpu.dma_semaphore, #tpu.memory_space<semaphore_mem>>)
    %add3A_22 = arith.constant 160 : i32
    %add3A_23 = arith.addi %mul3A_2, %add3A_22 : i32
    %dma_start3A_24 = tpu.memref_slice %arg4[%add3A_23] : memref<320000xi32, #tpu.memory_space<hbm>> -> memref<80xi32, #tpu.memory_space<hbm>>
    %dma_start3A_25 = tpu.memref_slice %arg4[%add3A_23] : memref<320000xi32, #tpu.memory_space<hbm>> -> memref<80xi32, #tpu.memory_space<hbm>>
    tpu.enqueue_dma source(%dma_start3A_25 : memref<80xi32, #tpu.memory_space<hbm>>) target(%arg13 : memref<80xi32, #tpu.memory_space<vmem>>) target_semaphore(%arg30 : memref<!tpu.dma_semaphore, #tpu.memory_space<semaphore_mem>>)
    %scan3A = arith.constant 0 : i32
    %scan3A_26 = arith.constant 0 : i32
    %scan3A_27 = arith.constant 640 : i32
    %scan3A_28 = arith.addi %scan3A_26, %scan3A_27 : i32
    %scan3A_29 = arith.constant 1 : i32
    scf.for %scan3A_164 = %scan3A_26 to %scan3A_28 step %scan3A_29  : i32 {
      %jit3A = arith.constant 8 : i32
      %div3A = arith.divsi %scan3A_164, %jit3A : i32
      %sign3A = arith.constant 0 : i32
      %sign3A_165 = arith.cmpi sgt, %scan3A_164, %sign3A : i32
      %sign3A_166 = arith.extui %sign3A_165 : i1 to i32
      %sign3A_167 = arith.constant 0 : i32
      %sign3A_168 = arith.cmpi slt, %scan3A_164, %sign3A_167 : i32
      %sign3A_169 = arith.extui %sign3A_168 : i1 to i32
      %sign3A_170 = arith.subi %sign3A_166, %sign3A_169 : i32
      %sign3A_171 = arith.constant 0 : i32
      %sign3A_172 = arith.cmpi sgt, %jit3A, %sign3A_171 : i32
      %sign3A_173 = arith.extui %sign3A_172 : i1 to i32
      %sign3A_174 = arith.constant 0 : i32
      %sign3A_175 = arith.cmpi slt, %jit3A, %sign3A_174 : i32
      %sign3A_176 = arith.extui %sign3A_175 : i1 to i32
      %sign3A_177 = arith.subi %sign3A_173, %sign3A_176 : i32
      %ne3A = arith.cmpi ne, %sign3A_170, %sign3A_177 : i32
      %rem3A = arith.remsi %scan3A_164, %jit3A : i32
      %ne3A_178 = arith.constant 0 : i32
      %ne3A_179 = arith.cmpi ne, %rem3A, %ne3A_178 : i32
      %and3A = arith.andi %ne3A, %ne3A_179 : i1
      %sub3A = arith.constant 1 : i32
      %sub3A_180 = arith.subi %div3A, %sub3A : i32
      %select_n3A = arith.select %and3A, %sub3A_180, %div3A : i32
      %jit3A_181 = arith.constant 8 : i32
      %eq3A = arith.constant 0 : i32
      %eq3A_182 = arith.cmpi eq, %jit3A_181, %eq3A : i32
      %jit3A_183 = arith.constant 1 : i32
      %select_n3A_184 = arith.select %eq3A_182, %jit3A_183, %jit3A_181 : i32
      %rem3A_185 = arith.remsi %scan3A_164, %select_n3A_184 : i32
      %ne3A_186 = arith.constant 0 : i32
      %ne3A_187 = arith.cmpi ne, %rem3A_185, %ne3A_186 : i32
      %lt3A = arith.constant 0 : i32
      %lt3A_188 = arith.cmpi slt, %rem3A_185, %lt3A : i32
      %lt3A_189 = arith.constant 0 : i32
      %lt3A_190 = arith.cmpi slt, %select_n3A_184, %lt3A_189 : i32
      %ne3A_191 = arith.xori %lt3A_188, %lt3A_190 : i1
      %and3A_192 = arith.andi %ne3A_191, %ne3A_187 : i1
      %add3A_193 = arith.addi %rem3A_185, %select_n3A_184 : i32
      %select_n3A_194 = arith.select %and3A_192, %add3A_193, %rem3A_185 : i32
      %mul3A_195 = arith.constant 16 : i32
      %mul3A_196 = arith.muli %select_n3A_194, %mul3A_195 : i32
      %broadcast_in_dim3A = arith.constant 0.000000e+00 : f32
      %broadcast_in_dim3A_197 = vector.broadcast %broadcast_in_dim3A : f32 to vector<16xf32>
      %swap3A = arith.index_cast %select_n3A : i32 to index
      %swap3A_198 = arith.index_cast %mul3A_196 : i32 to index
      %swap3A_199 = tpu.vector_load %arg15[%swap3A, %swap3A_198] {strides = array<i32>} : memref<80x128xf32, #tpu.memory_space<vmem>>, vector<1x16xf32>,
      %swap3A_200 = vector.shape_cast %swap3A_199 : vector<1x16xf32> to vector<16xf32>
      %swap3A_201 = vector.shape_cast %broadcast_in_dim3A_197 : vector<16xf32> to vector<1x16xf32>
      tpu.vector_store %arg15[%swap3A, %swap3A_198], %swap3A_201 {strides = array<i32>} : memref<80x128xf32, #tpu.memory_space<vmem>>, vector<1x16xf32>,
    }
    %scan3A_30 = arith.constant 640 : i32
    %scan3A_31 = arith.constant 0 : i32
    %scan3A_32 = arith.constant 0 : i32
    %scan3A_33 = arith.constant 8 : i32
    %scan3A_34 = arith.addi %scan3A_32, %scan3A_33 : i32
    %scan3A_35 = arith.constant 1 : i32
    scf.for %scan3A_164 = %scan3A_32 to %scan3A_34 step %scan3A_35  : i32 {
      %mul3A_165 = arith.constant 16 : i32
      %mul3A_166 = arith.muli %scan3A_164, %mul3A_165 : i32
      %add3A_167 = arith.addi %mul3A_166, %arg1 : i32
      %lt3A = arith.constant 125 : i32
      %lt3A_168 = arith.cmpi slt, %add3A_167, %lt3A : i32
      %convert_element_type3A = arith.extui %lt3A_168 : i1 to i32
      %cond3A = arith.constant 0 : i32
      %cond3A_169 = arith.cmpi ne, %convert_element_type3A, %cond3A : i32
      scf.if %cond3A_169 {
        %mul3A_170 = arith.constant 80 : i32
        %mul3A_171 = arith.muli %add3A_167, %mul3A_170 : i32
        %dma_start3A_172 = arith.constant 0 : i32
        %dma_start3A_173 = tpu.memref_slice %arg19[%mul3A_171, %dma_start3A_172] : memref<10000x128xf32, #tpu.memory_space<vmem_shared>> -> memref<80x128xf32, #tpu.memory_space<vmem_shared>>
        %dma_start3A_174 = arith.constant 0 : i32
        %dma_start3A_175 = tpu.memref_slice %arg19[%mul3A_171, %dma_start3A_174] : memref<10000x128xf32, #tpu.memory_space<vmem_shared>> -> memref<80x128xf32, #tpu.memory_space<vmem_shared>>
        tpu.enqueue_dma source(%arg15 : memref<80x128xf32, #tpu.memory_space<vmem>>) target(%dma_start3A_175 : memref<80x128xf32, #tpu.memory_space<vmem_shared>>) target_semaphore(%arg20 : memref<!tpu.dma_semaphore, #tpu.memory_space<semaphore_mem>>)
      } else {
      }
    }
    %scan3A_36 = arith.constant 8 : i32
    %scan3A_37 = arith.constant 0 : i32
    %scan3A_38 = arith.constant 0 : i32
    %scan3A_39 = arith.constant 8 : i32
    %scan3A_40 = arith.addi %scan3A_38, %scan3A_39 : i32
    %scan3A_41 = arith.constant 1 : i32
    scf.for %scan3A_164 = %scan3A_38 to %scan3A_40 step %scan3A_41  : i32 {
      %mul3A_165 = arith.constant 16 : i32
      %mul3A_166 = arith.muli %scan3A_164, %mul3A_165 : i32
      %add3A_167 = arith.addi %mul3A_166, %arg1 : i32
      %lt3A = arith.constant 125 : i32
      %lt3A_168 = arith.cmpi slt, %add3A_167, %lt3A : i32
      %convert_element_type3A = arith.extui %lt3A_168 : i1 to i32
      %cond3A = arith.constant 0 : i32
      %cond3A_169 = arith.cmpi ne, %convert_element_type3A, %cond3A : i32
      scf.if %cond3A_169 {
        %mul3A_170 = arith.constant 80 : i32
        %mul3A_171 = arith.muli %add3A_167, %mul3A_170 : i32
        %dma_wait3A_172 = arith.constant 0 : i32
        %dma_wait3A_173 = tpu.memref_slice %arg19[%mul3A_171, %dma_wait3A_172] : memref<10000x128xf32, #tpu.memory_space<vmem_shared>> -> memref<80x128xf32, #tpu.memory_space<vmem_shared>>
        %dma_wait3A_174 = arith.constant 0 : i32
        %dma_wait3A_175 = tpu.memref_slice %arg19[%mul3A_171, %dma_wait3A_174] : memref<10000x128xf32, #tpu.memory_space<vmem_shared>> -> memref<80x128xf32, #tpu.memory_space<vmem_shared>>
        tpu.wait_dma2 semaphore(%arg20 : memref<!tpu.dma_semaphore, #tpu.memory_space<semaphore_mem>>) src(%arg15 : memref<80x128xf32, #tpu.memory_space<vmem>>) dst(%dma_wait3A_175 : memref<80x128xf32, #tpu.memory_space<vmem_shared>>)
      } else {
      }
    }
    %scan3A_42 = arith.constant 8 : i32
    %barrier3A = arith.constant 0 : index
    tpu.barrier barrier_id(%barrier3A)
    %add3A_43 = arith.constant 0 : i32
    %add3A_44 = arith.addi %mul3A_2, %add3A_43 : i32
    %dma_wait3A = tpu.memref_slice %arg3[%add3A_44] : memref<320000xi32, #tpu.memory_space<hbm>> -> memref<80xi32, #tpu.memory_space<hbm>>
    %dma_wait3A_45 = tpu.memref_slice %arg3[%add3A_44] : memref<320000xi32, #tpu.memory_space<hbm>> -> memref<80xi32, #tpu.memory_space<hbm>>
    tpu.wait_dma2 semaphore(%arg28 : memref<!tpu.dma_semaphore, #tpu.memory_space<semaphore_mem>>) src(%dma_wait3A_45 : memref<80xi32, #tpu.memory_space<hbm>>) dst(%arg7 : memref<80xi32, #tpu.memory_space<vmem>>)
    %add3A_46 = arith.constant 0 : i32
    %add3A_47 = arith.addi %mul3A_2, %add3A_46 : i32
    %dma_wait3A_48 = tpu.memref_slice %arg4[%add3A_47] : memref<320000xi32, #tpu.memory_space<hbm>> -> memref<80xi32, #tpu.memory_space<hbm>>
    %dma_wait3A_49 = tpu.memref_slice %arg4[%add3A_47] : memref<320000xi32, #tpu.memory_space<hbm>> -> memref<80xi32, #tpu.memory_space<hbm>>
    tpu.wait_dma2 semaphore(%arg28 : memref<!tpu.dma_semaphore, #tpu.memory_space<semaphore_mem>>) src(%dma_wait3A_49 : memref<80xi32, #tpu.memory_space<hbm>>) dst(%arg11 : memref<80xi32, #tpu.memory_space<vmem>>)
    %dma_start3A_50 = arith.constant 0 : i32
    %dma_start3A_51 = arith.constant 0 : i32
    %dma_start3A_52 = tpu.memref_slice %arg2[%dma_start3A_50, %dma_start3A_51] : memref<10000x128xf32, #tpu.memory_space<hbm>> -> memref<10000x128xf32, #tpu.memory_space<hbm>>
    tpu.enqueue_indirect_dma source(%dma_start3A_52 : memref<10000x128xf32, #tpu.memory_space<hbm>>) target(%arg15 : memref<80x128xf32, #tpu.memory_space<vmem>>) offsets(%arg7 : memref<80xi32, #tpu.memory_space<vmem>>) semaphore(%arg20 : memref<!tpu.dma_semaphore, #tpu.memory_space<semaphore_mem>>)
    %add3A_53 = arith.constant 80 : i32
    %add3A_54 = arith.addi %mul3A_2, %add3A_53 : i32
    %dma_wait3A_55 = tpu.memref_slice %arg3[%add3A_54] : memref<320000xi32, #tpu.memory_space<hbm>> -> memref<80xi32, #tpu.memory_space<hbm>>
    %dma_wait3A_56 = tpu.memref_slice %arg3[%add3A_54] : memref<320000xi32, #tpu.memory_space<hbm>> -> memref<80xi32, #tpu.memory_space<hbm>>
    tpu.wait_dma2 semaphore(%arg29 : memref<!tpu.dma_semaphore, #tpu.memory_space<semaphore_mem>>) src(%dma_wait3A_56 : memref<80xi32, #tpu.memory_space<hbm>>) dst(%arg8 : memref<80xi32, #tpu.memory_space<vmem>>)
    %add3A_57 = arith.constant 80 : i32
    %add3A_58 = arith.addi %mul3A_2, %add3A_57 : i32
    %dma_wait3A_59 = tpu.memref_slice %arg4[%add3A_58] : memref<320000xi32, #tpu.memory_space<hbm>> -> memref<80xi32, #tpu.memory_space<hbm>>
    %dma_wait3A_60 = tpu.memref_slice %arg4[%add3A_58] : memref<320000xi32, #tpu.memory_space<hbm>> -> memref<80xi32, #tpu.memory_space<hbm>>
    tpu.wait_dma2 semaphore(%arg29 : memref<!tpu.dma_semaphore, #tpu.memory_space<semaphore_mem>>) src(%dma_wait3A_60 : memref<80xi32, #tpu.memory_space<hbm>>) dst(%arg12 : memref<80xi32, #tpu.memory_space<vmem>>)
    %dma_start3A_61 = arith.constant 0 : i32
    %dma_start3A_62 = arith.constant 0 : i32
    %dma_start3A_63 = tpu.memref_slice %arg2[%dma_start3A_61, %dma_start3A_62] : memref<10000x128xf32, #tpu.memory_space<hbm>> -> memref<10000x128xf32, #tpu.memory_space<hbm>>
    tpu.enqueue_indirect_dma source(%dma_start3A_63 : memref<10000x128xf32, #tpu.memory_space<hbm>>) target(%arg16 : memref<80x128xf32, #tpu.memory_space<vmem>>) offsets(%arg8 : memref<80xi32, #tpu.memory_space<vmem>>) semaphore(%arg21 : memref<!tpu.dma_semaphore, #tpu.memory_space<semaphore_mem>>)
    %scan3A_64 = arith.constant 0 : i32
    %scan3A_65 = arith.constant 0 : i32
    %scan3A_66 = arith.constant 31 : i32
    %scan3A_67 = arith.addi %scan3A_65, %scan3A_66 : i32
    %scan3A_68 = arith.constant 1 : i32
    scf.for %scan3A_164 = %scan3A_65 to %scan3A_67 step %scan3A_68  : i32 {
      %mul3A_165 = arith.constant 4 : i32
      %mul3A_166 = arith.muli %mul3A_165, %scan3A_164 : i32
      %ge3A = arith.constant 1 : i32
      %ge3A_167 = arith.cmpi sge, %mul3A_166, %ge3A : i32
      %convert_element_type3A = arith.extui %ge3A_167 : i1 to i32
      %cond3A = arith.constant 0 : i32
      %cond3A_168 = arith.cmpi ne, %convert_element_type3A, %cond3A : i32
      scf.if %cond3A_168 {
        %sub3A = arith.constant 1 : i32
        %sub3A_275 = arith.subi %mul3A_166, %sub3A : i32
        %dma_wait3A_276 = arith.constant 0 : i32
        %dma_wait3A_277 = arith.constant 0 : i32
        %dma_wait3A_278 = tpu.memref_slice %arg19[%dma_wait3A_276, %dma_wait3A_277] : memref<10000x128xf32, #tpu.memory_space<vmem_shared>> -> memref<10000x128xf32, #tpu.memory_space<vmem_shared>>
        tpu.wait_indirect_dma semaphore(%arg27 : memref<!tpu.dma_semaphore, #tpu.memory_space<semaphore_mem>>) src(%arg18 : memref<80x128xf32, #tpu.memory_space<vmem>>) dst(%dma_wait3A_278 : memref<10000x128xf32, #tpu.memory_space<vmem_shared>>)
      } else {
      }
      %add3A_169 = arith.constant 3 : i32
      %add3A_170 = arith.addi %mul3A_166, %add3A_169 : i32
      %lt3A = arith.constant 125 : i32
      %lt3A_171 = arith.cmpi slt, %add3A_170, %lt3A : i32
      %convert_element_type3A_172 = arith.extui %lt3A_171 : i1 to i32
      %cond3A_173 = arith.constant 0 : i32
      %cond3A_174 = arith.cmpi ne, %convert_element_type3A_172, %cond3A_173 : i32
      scf.if %cond3A_174 {
        %add3A_275 = arith.constant 3 : i32
        %add3A_276 = arith.addi %mul3A_166, %add3A_275 : i32
        %mul3A_277 = arith.constant 80 : i32
        %mul3A_278 = arith.muli %add3A_276, %mul3A_277 : i32
        %add3A_279 = arith.addi %mul3A_2, %mul3A_278 : i32
        %dma_start3A_280 = tpu.memref_slice %arg3[%add3A_279] : memref<320000xi32, #tpu.memory_space<hbm>> -> memref<80xi32, #tpu.memory_space<hbm>>
        %dma_start3A_281 = tpu.memref_slice %arg3[%add3A_279] : memref<320000xi32, #tpu.memory_space<hbm>> -> memref<80xi32, #tpu.memory_space<hbm>>
        tpu.enqueue_dma source(%dma_start3A_281 : memref<80xi32, #tpu.memory_space<hbm>>) target(%arg10 : memref<80xi32, #tpu.memory_space<vmem>>) target_semaphore(%arg31 : memref<!tpu.dma_semaphore, #tpu.memory_space<semaphore_mem>>)
        %mul3A_282 = arith.constant 80 : i32
        %mul3A_283 = arith.muli %add3A_276, %mul3A_282 : i32
        %add3A_284 = arith.addi %mul3A_2, %mul3A_283 : i32
        %dma_start3A_285 = tpu.memref_slice %arg4[%add3A_284] : memref<320000xi32, #tpu.memory_space<hbm>> -> memref<80xi32, #tpu.memory_space<hbm>>
        %dma_start3A_286 = tpu.memref_slice %arg4[%add3A_284] : memref<320000xi32, #tpu.memory_space<hbm>> -> memref<80xi32, #tpu.memory_space<hbm>>
        tpu.enqueue_dma source(%dma_start3A_286 : memref<80xi32, #tpu.memory_space<hbm>>) target(%arg14 : memref<80xi32, #tpu.memory_space<vmem>>) target_semaphore(%arg31 : memref<!tpu.dma_semaphore, #tpu.memory_space<semaphore_mem>>)
      } else {
      }
      %add3A_175 = arith.constant 2 : i32
      %add3A_176 = arith.addi %mul3A_166, %add3A_175 : i32
      %lt3A_177 = arith.constant 125 : i32
      %lt3A_178 = arith.cmpi slt, %add3A_176, %lt3A_177 : i32
      %convert_element_type3A_179 = arith.extui %lt3A_178 : i1 to i32
      %cond3A_180 = arith.constant 0 : i32
      %cond3A_181 = arith.cmpi ne, %convert_element_type3A_179, %cond3A_180 : i32
      scf.if %cond3A_181 {
        %add3A_275 = arith.constant 2 : i32
        %add3A_276 = arith.addi %mul3A_166, %add3A_275 : i32
        %mul3A_277 = arith.constant 80 : i32
        %mul3A_278 = arith.muli %add3A_276, %mul3A_277 : i32
        %add3A_279 = arith.addi %mul3A_2, %mul3A_278 : i32
        %dma_wait3A_280 = tpu.memref_slice %arg3[%add3A_279] : memref<320000xi32, #tpu.memory_space<hbm>> -> memref<80xi32, #tpu.memory_space<hbm>>
        %dma_wait3A_281 = tpu.memref_slice %arg3[%add3A_279] : memref<320000xi32, #tpu.memory_space<hbm>> -> memref<80xi32, #tpu.memory_space<hbm>>
        tpu.wait_dma2 semaphore(%arg30 : memref<!tpu.dma_semaphore, #tpu.memory_space<semaphore_mem>>) src(%dma_wait3A_281 : memref<80xi32, #tpu.memory_space<hbm>>) dst(%arg9 : memref<80xi32, #tpu.memory_space<vmem>>)
        %mul3A_282 = arith.constant 80 : i32
        %mul3A_283 = arith.muli %add3A_276, %mul3A_282 : i32
        %add3A_284 = arith.addi %mul3A_2, %mul3A_283 : i32
        %dma_wait3A_285 = tpu.memref_slice %arg4[%add3A_284] : memref<320000xi32, #tpu.memory_space<hbm>> -> memref<80xi32, #tpu.memory_space<hbm>>
        %dma_wait3A_286 = tpu.memref_slice %arg4[%add3A_284] : memref<320000xi32, #tpu.memory_space<hbm>> -> memref<80xi32, #tpu.memory_space<hbm>>
        tpu.wait_dma2 semaphore(%arg30 : memref<!tpu.dma_semaphore, #tpu.memory_space<semaphore_mem>>) src(%dma_wait3A_286 : memref<80xi32, #tpu.memory_space<hbm>>) dst(%arg13 : memref<80xi32, #tpu.memory_space<vmem>>)
        %add3A_287 = arith.constant 2 : i32
        %add3A_288 = arith.addi %mul3A_166, %add3A_287 : i32
        %dma_start3A_289 = arith.constant 0 : i32
        %dma_start3A_290 = arith.constant 0 : i32
        %dma_start3A_291 = tpu.memref_slice %arg2[%dma_start3A_289, %dma_start3A_290] : memref<10000x128xf32, #tpu.memory_space<hbm>> -> memref<10000x128xf32, #tpu.memory_space<hbm>>
        tpu.enqueue_indirect_dma source(%dma_start3A_291 : memref<10000x128xf32, #tpu.memory_space<hbm>>) target(%arg17 : memref<80x128xf32, #tpu.memory_space<vmem>>) offsets(%arg9 : memref<80xi32, #tpu.memory_space<vmem>>) semaphore(%arg22 : memref<!tpu.dma_semaphore, #tpu.memory_space<semaphore_mem>>)
      } else {
      }
      %dma_wait3A_182 = arith.constant 0 : i32
      %dma_wait3A_183 = arith.constant 0 : i32
      %dma_wait3A_184 = tpu.memref_slice %arg2[%dma_wait3A_182, %dma_wait3A_183] : memref<10000x128xf32, #tpu.memory_space<hbm>> -> memref<10000x128xf32, #tpu.memory_space<hbm>>
      tpu.wait_indirect_dma semaphore(%arg20 : memref<!tpu.dma_semaphore, #tpu.memory_space<semaphore_mem>>) src(%dma_wait3A_184 : memref<10000x128xf32, #tpu.memory_space<hbm>>) dst(%arg15 : memref<80x128xf32, #tpu.memory_space<vmem>>)
      %dma_start3A_185 = arith.constant 0 : i32
      %dma_start3A_186 = arith.constant 0 : i32
      %dma_start3A_187 = tpu.memref_slice %arg19[%dma_start3A_185, %dma_start3A_186] : memref<10000x128xf32, #tpu.memory_space<vmem_shared>> -> memref<10000x128xf32, #tpu.memory_space<vmem_shared>>
      tpu.enqueue_indirect_dma source(%arg15 : memref<80x128xf32, #tpu.memory_space<vmem>>) target(%dma_start3A_187 : memref<10000x128xf32, #tpu.memory_space<vmem_shared>>) offsets(%arg11 : memref<80xi32, #tpu.memory_space<vmem>>) semaphore(%arg24 : memref<!tpu.dma_semaphore, #tpu.memory_space<semaphore_mem>>) {add = true}
      %mul3A_188 = arith.constant 4 : i32
      %mul3A_189 = arith.muli %mul3A_188, %scan3A_164 : i32
      %add3A_190 = arith.constant 1 : i32
      %add3A_191 = arith.addi %mul3A_189, %add3A_190 : i32
      %ge3A_192 = arith.constant 1 : i32
      %ge3A_193 = arith.cmpi sge, %add3A_191, %ge3A_192 : i32
      %convert_element_type3A_194 = arith.extui %ge3A_193 : i1 to i32
      %cond3A_195 = arith.constant 0 : i32
      %cond3A_196 = arith.cmpi ne, %convert_element_type3A_194, %cond3A_195 : i32
      scf.if %cond3A_196 {
        %sub3A = arith.constant 1 : i32
        %sub3A_275 = arith.subi %add3A_191, %sub3A : i32
        %dma_wait3A_276 = arith.constant 0 : i32
        %dma_wait3A_277 = arith.constant 0 : i32
        %dma_wait3A_278 = tpu.memref_slice %arg19[%dma_wait3A_276, %dma_wait3A_277] : memref<10000x128xf32, #tpu.memory_space<vmem_shared>> -> memref<10000x128xf32, #tpu.memory_space<vmem_shared>>
        tpu.wait_indirect_dma semaphore(%arg24 : memref<!tpu.dma_semaphore, #tpu.memory_space<semaphore_mem>>) src(%arg15 : memref<80x128xf32, #tpu.memory_space<vmem>>) dst(%dma_wait3A_278 : memref<10000x128xf32, #tpu.memory_space<vmem_shared>>)
      } else {
      }
      %add3A_197 = arith.constant 3 : i32
      %add3A_198 = arith.addi %add3A_191, %add3A_197 : i32
      %lt3A_199 = arith.constant 125 : i32
      %lt3A_200 = arith.cmpi slt, %add3A_198, %lt3A_199 : i32
      %convert_element_type3A_201 = arith.extui %lt3A_200 : i1 to i32
      %cond3A_202 = arith.constant 0 : i32
      %cond3A_203 = arith.cmpi ne, %convert_element_type3A_201, %cond3A_202 : i32
      scf.if %cond3A_203 {
        %add3A_275 = arith.constant 3 : i32
        %add3A_276 = arith.addi %add3A_191, %add3A_275 : i32
        %mul3A_277 = arith.constant 80 : i32
        %mul3A_278 = arith.muli %add3A_276, %mul3A_277 : i32
        %add3A_279 = arith.addi %mul3A_2, %mul3A_278 : i32
        %dma_start3A_280 = tpu.memref_slice %arg3[%add3A_279] : memref<320000xi32, #tpu.memory_space<hbm>> -> memref<80xi32, #tpu.memory_space<hbm>>
        %dma_start3A_281 = tpu.memref_slice %arg3[%add3A_279] : memref<320000xi32, #tpu.memory_space<hbm>> -> memref<80xi32, #tpu.memory_space<hbm>>
        tpu.enqueue_dma source(%dma_start3A_281 : memref<80xi32, #tpu.memory_space<hbm>>) target(%arg7 : memref<80xi32, #tpu.memory_space<vmem>>) target_semaphore(%arg28 : memref<!tpu.dma_semaphore, #tpu.memory_space<semaphore_mem>>)
        %mul3A_282 = arith.constant 80 : i32
        %mul3A_283 = arith.muli %add3A_276, %mul3A_282 : i32
        %add3A_284 = arith.addi %mul3A_2, %mul3A_283 : i32
        %dma_start3A_285 = tpu.memref_slice %arg4[%add3A_284] : memref<320000xi32, #tpu.memory_space<hbm>> -> memref<80xi32, #tpu.memory_space<hbm>>
        %dma_start3A_286 = tpu.memref_slice %arg4[%add3A_284] : memref<320000xi32, #tpu.memory_space<hbm>> -> memref<80xi32, #tpu.memory_space<hbm>>
        tpu.enqueue_dma source(%dma_start3A_286 : memref<80xi32, #tpu.memory_space<hbm>>) target(%arg11 : memref<80xi32, #tpu.memory_space<vmem>>) target_semaphore(%arg28 : memref<!tpu.dma_semaphore, #tpu.memory_space<semaphore_mem>>)
      } else {
      }
      %add3A_204 = arith.constant 2 : i32
      %add3A_205 = arith.addi %add3A_191, %add3A_204 : i32
      %lt3A_206 = arith.constant 125 : i32
      %lt3A_207 = arith.cmpi slt, %add3A_205, %lt3A_206 : i32
      %convert_element_type3A_208 = arith.extui %lt3A_207 : i1 to i32
      %cond3A_209 = arith.constant 0 : i32
      %cond3A_210 = arith.cmpi ne, %convert_element_type3A_208, %cond3A_209 : i32
      scf.if %cond3A_210 {
        %add3A_275 = arith.constant 2 : i32
        %add3A_276 = arith.addi %add3A_191, %add3A_275 : i32
        %mul3A_277 = arith.constant 80 : i32
        %mul3A_278 = arith.muli %add3A_276, %mul3A_277 : i32
        %add3A_279 = arith.addi %mul3A_2, %mul3A_278 : i32
        %dma_wait3A_280 = tpu.memref_slice %arg3[%add3A_279] : memref<320000xi32, #tpu.memory_space<hbm>> -> memref<80xi32, #tpu.memory_space<hbm>>
        %dma_wait3A_281 = tpu.memref_slice %arg3[%add3A_279] : memref<320000xi32, #tpu.memory_space<hbm>> -> memref<80xi32, #tpu.memory_space<hbm>>
        tpu.wait_dma2 semaphore(%arg31 : memref<!tpu.dma_semaphore, #tpu.memory_space<semaphore_mem>>) src(%dma_wait3A_281 : memref<80xi32, #tpu.memory_space<hbm>>) dst(%arg10 : memref<80xi32, #tpu.memory_space<vmem>>)
        %mul3A_282 = arith.constant 80 : i32
        %mul3A_283 = arith.muli %add3A_276, %mul3A_282 : i32
        %add3A_284 = arith.addi %mul3A_2, %mul3A_283 : i32
        %dma_wait3A_285 = tpu.memref_slice %arg4[%add3A_284] : memref<320000xi32, #tpu.memory_space<hbm>> -> memref<80xi32, #tpu.memory_space<hbm>>
        %dma_wait3A_286 = tpu.memref_slice %arg4[%add3A_284] : memref<320000xi32, #tpu.memory_space<hbm>> -> memref<80xi32, #tpu.memory_space<hbm>>
        tpu.wait_dma2 semaphore(%arg31 : memref<!tpu.dma_semaphore, #tpu.memory_space<semaphore_mem>>) src(%dma_wait3A_286 : memref<80xi32, #tpu.memory_space<hbm>>) dst(%arg14 : memref<80xi32, #tpu.memory_space<vmem>>)
        %add3A_287 = arith.constant 2 : i32
        %add3A_288 = arith.addi %add3A_191, %add3A_287 : i32
        %dma_start3A_289 = arith.constant 0 : i32
        %dma_start3A_290 = arith.constant 0 : i32
        %dma_start3A_291 = tpu.memref_slice %arg2[%dma_start3A_289, %dma_start3A_290] : memref<10000x128xf32, #tpu.memory_space<hbm>> -> memref<10000x128xf32, #tpu.memory_space<hbm>>
        tpu.enqueue_indirect_dma source(%dma_start3A_291 : memref<10000x128xf32, #tpu.memory_space<hbm>>) target(%arg18 : memref<80x128xf32, #tpu.memory_space<vmem>>) offsets(%arg10 : memref<80xi32, #tpu.memory_space<vmem>>) semaphore(%arg23 : memref<!tpu.dma_semaphore, #tpu.memory_space<semaphore_mem>>)
      } else {
      }
      %dma_wait3A_211 = arith.constant 0 : i32
      %dma_wait3A_212 = arith.constant 0 : i32
      %dma_wait3A_213 = tpu.memref_slice %arg2[%dma_wait3A_211, %dma_wait3A_212] : memref<10000x128xf32, #tpu.memory_space<hbm>> -> memref<10000x128xf32, #tpu.memory_space<hbm>>
      tpu.wait_indirect_dma semaphore(%arg21 : memref<!tpu.dma_semaphore, #tpu.memory_space<semaphore_mem>>) src(%dma_wait3A_213 : memref<10000x128xf32, #tpu.memory_space<hbm>>) dst(%arg16 : memref<80x128xf32, #tpu.memory_space<vmem>>)
      %dma_start3A_214 = arith.constant 0 : i32
      %dma_start3A_215 = arith.constant 0 : i32
      %dma_start3A_216 = tpu.memref_slice %arg19[%dma_start3A_214, %dma_start3A_215] : memref<10000x128xf32, #tpu.memory_space<vmem_shared>> -> memref<10000x128xf32, #tpu.memory_space<vmem_shared>>
      tpu.enqueue_indirect_dma source(%arg16 : memref<80x128xf32, #tpu.memory_space<vmem>>) target(%dma_start3A_216 : memref<10000x128xf32, #tpu.memory_space<vmem_shared>>) offsets(%arg12 : memref<80xi32, #tpu.memory_space<vmem>>) semaphore(%arg25 : memref<!tpu.dma_semaphore, #tpu.memory_space<semaphore_mem>>) {add = true}
      %mul3A_217 = arith.constant 4 : i32
      %mul3A_218 = arith.muli %mul3A_217, %scan3A_164 : i32
      %add3A_219 = arith.constant 2 : i32
      %add3A_220 = arith.addi %mul3A_218, %add3A_219 : i32
      %ge3A_221 = arith.constant 1 : i32
      %ge3A_222 = arith.cmpi sge, %add3A_220, %ge3A_221 : i32
      %convert_element_type3A_223 = arith.extui %ge3A_222 : i1 to i32
      %cond3A_224 = arith.constant 0 : i32
      %cond3A_225 = arith.cmpi ne, %convert_element_type3A_223, %cond3A_224 : i32
      scf.if %cond3A_225 {
        %sub3A = arith.constant 1 : i32
        %sub3A_275 = arith.subi %add3A_220, %sub3A : i32
        %dma_wait3A_276 = arith.constant 0 : i32
        %dma_wait3A_277 = arith.constant 0 : i32
        %dma_wait3A_278 = tpu.memref_slice %arg19[%dma_wait3A_276, %dma_wait3A_277] : memref<10000x128xf32, #tpu.memory_space<vmem_shared>> -> memref<10000x128xf32, #tpu.memory_space<vmem_shared>>
        tpu.wait_indirect_dma semaphore(%arg25 : memref<!tpu.dma_semaphore, #tpu.memory_space<semaphore_mem>>) src(%arg16 : memref<80x128xf32, #tpu.memory_space<vmem>>) dst(%dma_wait3A_278 : memref<10000x128xf32, #tpu.memory_space<vmem_shared>>)
      } else {
      }
      %add3A_226 = arith.constant 3 : i32
      %add3A_227 = arith.addi %add3A_220, %add3A_226 : i32
      %lt3A_228 = arith.constant 125 : i32
      %lt3A_229 = arith.cmpi slt, %add3A_227, %lt3A_228 : i32
      %convert_element_type3A_230 = arith.extui %lt3A_229 : i1 to i32
      %cond3A_231 = arith.constant 0 : i32
      %cond3A_232 = arith.cmpi ne, %convert_element_type3A_230, %cond3A_231 : i32
      scf.if %cond3A_232 {
        %add3A_275 = arith.constant 3 : i32
        %add3A_276 = arith.addi %add3A_220, %add3A_275 : i32
        %mul3A_277 = arith.constant 80 : i32
        %mul3A_278 = arith.muli %add3A_276, %mul3A_277 : i32
        %add3A_279 = arith.addi %mul3A_2, %mul3A_278 : i32
        %dma_start3A_280 = tpu.memref_slice %arg3[%add3A_279] : memref<320000xi32, #tpu.memory_space<hbm>> -> memref<80xi32, #tpu.memory_space<hbm>>
        %dma_start3A_281 = tpu.memref_slice %arg3[%add3A_279] : memref<320000xi32, #tpu.memory_space<hbm>> -> memref<80xi32, #tpu.memory_space<hbm>>
        tpu.enqueue_dma source(%dma_start3A_281 : memref<80xi32, #tpu.memory_space<hbm>>) target(%arg8 : memref<80xi32, #tpu.memory_space<vmem>>) target_semaphore(%arg29 : memref<!tpu.dma_semaphore, #tpu.memory_space<semaphore_mem>>)
        %mul3A_282 = arith.constant 80 : i32
        %mul3A_283 = arith.muli %add3A_276, %mul3A_282 : i32
        %add3A_284 = arith.addi %mul3A_2, %mul3A_283 : i32
        %dma_start3A_285 = tpu.memref_slice %arg4[%add3A_284] : memref<320000xi32, #tpu.memory_space<hbm>> -> memref<80xi32, #tpu.memory_space<hbm>>
        %dma_start3A_286 = tpu.memref_slice %arg4[%add3A_284] : memref<320000xi32, #tpu.memory_space<hbm>> -> memref<80xi32, #tpu.memory_space<hbm>>
        tpu.enqueue_dma source(%dma_start3A_286 : memref<80xi32, #tpu.memory_space<hbm>>) target(%arg12 : memref<80xi32, #tpu.memory_space<vmem>>) target_semaphore(%arg29 : memref<!tpu.dma_semaphore, #tpu.memory_space<semaphore_mem>>)
      } else {
      }
      %add3A_233 = arith.constant 2 : i32
      %add3A_234 = arith.addi %add3A_220, %add3A_233 : i32
      %lt3A_235 = arith.constant 125 : i32
      %lt3A_236 = arith.cmpi slt, %add3A_234, %lt3A_235 : i32
      %convert_element_type3A_237 = arith.extui %lt3A_236 : i1 to i32
      %cond3A_238 = arith.constant 0 : i32
      %cond3A_239 = arith.cmpi ne, %convert_element_type3A_237, %cond3A_238 : i32
      scf.if %cond3A_239 {
        %add3A_275 = arith.constant 2 : i32
        %add3A_276 = arith.addi %add3A_220, %add3A_275 : i32
        %mul3A_277 = arith.constant 80 : i32
        %mul3A_278 = arith.muli %add3A_276, %mul3A_277 : i32
        %add3A_279 = arith.addi %mul3A_2, %mul3A_278 : i32
        %dma_wait3A_280 = tpu.memref_slice %arg3[%add3A_279] : memref<320000xi32, #tpu.memory_space<hbm>> -> memref<80xi32, #tpu.memory_space<hbm>>
        %dma_wait3A_281 = tpu.memref_slice %arg3[%add3A_279] : memref<320000xi32, #tpu.memory_space<hbm>> -> memref<80xi32, #tpu.memory_space<hbm>>
        tpu.wait_dma2 semaphore(%arg28 : memref<!tpu.dma_semaphore, #tpu.memory_space<semaphore_mem>>) src(%dma_wait3A_281 : memref<80xi32, #tpu.memory_space<hbm>>) dst(%arg7 : memref<80xi32, #tpu.memory_space<vmem>>)
        %mul3A_282 = arith.constant 80 : i32
        %mul3A_283 = arith.muli %add3A_276, %mul3A_282 : i32
        %add3A_284 = arith.addi %mul3A_2, %mul3A_283 : i32
        %dma_wait3A_285 = tpu.memref_slice %arg4[%add3A_284] : memref<320000xi32, #tpu.memory_space<hbm>> -> memref<80xi32, #tpu.memory_space<hbm>>
        %dma_wait3A_286 = tpu.memref_slice %arg4[%add3A_284] : memref<320000xi32, #tpu.memory_space<hbm>> -> memref<80xi32, #tpu.memory_space<hbm>>
        tpu.wait_dma2 semaphore(%arg28 : memref<!tpu.dma_semaphore, #tpu.memory_space<semaphore_mem>>) src(%dma_wait3A_286 : memref<80xi32, #tpu.memory_space<hbm>>) dst(%arg11 : memref<80xi32, #tpu.memory_space<vmem>>)
        %add3A_287 = arith.constant 2 : i32
        %add3A_288 = arith.addi %add3A_220, %add3A_287 : i32
        %dma_start3A_289 = arith.constant 0 : i32
        %dma_start3A_290 = arith.constant 0 : i32
        %dma_start3A_291 = tpu.memref_slice %arg2[%dma_start3A_289, %dma_start3A_290] : memref<10000x128xf32, #tpu.memory_space<hbm>> -> memref<10000x128xf32, #tpu.memory_space<hbm>>
        tpu.enqueue_indirect_dma source(%dma_start3A_291 : memref<10000x128xf32, #tpu.memory_space<hbm>>) target(%arg15 : memref<80x128xf32, #tpu.memory_space<vmem>>) offsets(%arg7 : memref<80xi32, #tpu.memory_space<vmem>>) semaphore(%arg20 : memref<!tpu.dma_semaphore, #tpu.memory_space<semaphore_mem>>)
      } else {
      }
      %dma_wait3A_240 = arith.constant 0 : i32
      %dma_wait3A_241 = arith.constant 0 : i32
      %dma_wait3A_242 = tpu.memref_slice %arg2[%dma_wait3A_240, %dma_wait3A_241] : memref<10000x128xf32, #tpu.memory_space<hbm>> -> memref<10000x128xf32, #tpu.memory_space<hbm>>
      tpu.wait_indirect_dma semaphore(%arg22 : memref<!tpu.dma_semaphore, #tpu.memory_space<semaphore_mem>>) src(%dma_wait3A_242 : memref<10000x128xf32, #tpu.memory_space<hbm>>) dst(%arg17 : memref<80x128xf32, #tpu.memory_space<vmem>>)
      %dma_start3A_243 = arith.constant 0 : i32
      %dma_start3A_244 = arith.constant 0 : i32
      %dma_start3A_245 = tpu.memref_slice %arg19[%dma_start3A_243, %dma_start3A_244] : memref<10000x128xf32, #tpu.memory_space<vmem_shared>> -> memref<10000x128xf32, #tpu.memory_space<vmem_shared>>
      tpu.enqueue_indirect_dma source(%arg17 : memref<80x128xf32, #tpu.memory_space<vmem>>) target(%dma_start3A_245 : memref<10000x128xf32, #tpu.memory_space<vmem_shared>>) offsets(%arg13 : memref<80xi32, #tpu.memory_space<vmem>>) semaphore(%arg26 : memref<!tpu.dma_semaphore, #tpu.memory_space<semaphore_mem>>) {add = true}
      %mul3A_246 = arith.constant 4 : i32
      %mul3A_247 = arith.muli %mul3A_246, %scan3A_164 : i32
      %add3A_248 = arith.constant 3 : i32
      %add3A_249 = arith.addi %mul3A_247, %add3A_248 : i32
      %ge3A_250 = arith.constant 1 : i32
      %ge3A_251 = arith.cmpi sge, %add3A_249, %ge3A_250 : i32
      %convert_element_type3A_252 = arith.extui %ge3A_251 : i1 to i32
      %cond3A_253 = arith.constant 0 : i32
      %cond3A_254 = arith.cmpi ne, %convert_element_type3A_252, %cond3A_253 : i32
      scf.if %cond3A_254 {
        %sub3A = arith.constant 1 : i32
        %sub3A_275 = arith.subi %add3A_249, %sub3A : i32
        %dma_wait3A_276 = arith.constant 0 : i32
        %dma_wait3A_277 = arith.constant 0 : i32
        %dma_wait3A_278 = tpu.memref_slice %arg19[%dma_wait3A_276, %dma_wait3A_277] : memref<10000x128xf32, #tpu.memory_space<vmem_shared>> -> memref<10000x128xf32, #tpu.memory_space<vmem_shared>>
        tpu.wait_indirect_dma semaphore(%arg26 : memref<!tpu.dma_semaphore, #tpu.memory_space<semaphore_mem>>) src(%arg17 : memref<80x128xf32, #tpu.memory_space<vmem>>) dst(%dma_wait3A_278 : memref<10000x128xf32, #tpu.memory_space<vmem_shared>>)
      } else {
      }
      %add3A_255 = arith.constant 3 : i32
      %add3A_256 = arith.addi %add3A_249, %add3A_255 : i32
      %lt3A_257 = arith.constant 125 : i32
      %lt3A_258 = arith.cmpi slt, %add3A_256, %lt3A_257 : i32
      %convert_element_type3A_259 = arith.extui %lt3A_258 : i1 to i32
      %cond3A_260 = arith.constant 0 : i32
      %cond3A_261 = arith.cmpi ne, %convert_element_type3A_259, %cond3A_260 : i32
      scf.if %cond3A_261 {
        %add3A_275 = arith.constant 3 : i32
        %add3A_276 = arith.addi %add3A_249, %add3A_275 : i32
        %mul3A_277 = arith.constant 80 : i32
        %mul3A_278 = arith.muli %add3A_276, %mul3A_277 : i32
        %add3A_279 = arith.addi %mul3A_2, %mul3A_278 : i32
        %dma_start3A_280 = tpu.memref_slice %arg3[%add3A_279] : memref<320000xi32, #tpu.memory_space<hbm>> -> memref<80xi32, #tpu.memory_space<hbm>>
        %dma_start3A_281 = tpu.memref_slice %arg3[%add3A_279] : memref<320000xi32, #tpu.memory_space<hbm>> -> memref<80xi32, #tpu.memory_space<hbm>>
        tpu.enqueue_dma source(%dma_start3A_281 : memref<80xi32, #tpu.memory_space<hbm>>) target(%arg9 : memref<80xi32, #tpu.memory_space<vmem>>) target_semaphore(%arg30 : memref<!tpu.dma_semaphore, #tpu.memory_space<semaphore_mem>>)
        %mul3A_282 = arith.constant 80 : i32
        %mul3A_283 = arith.muli %add3A_276, %mul3A_282 : i32
        %add3A_284 = arith.addi %mul3A_2, %mul3A_283 : i32
        %dma_start3A_285 = tpu.memref_slice %arg4[%add3A_284] : memref<320000xi32, #tpu.memory_space<hbm>> -> memref<80xi32, #tpu.memory_space<hbm>>
        %dma_start3A_286 = tpu.memref_slice %arg4[%add3A_284] : memref<320000xi32, #tpu.memory_space<hbm>> -> memref<80xi32, #tpu.memory_space<hbm>>
        tpu.enqueue_dma source(%dma_start3A_286 : memref<80xi32, #tpu.memory_space<hbm>>) target(%arg13 : memref<80xi32, #tpu.memory_space<vmem>>) target_semaphore(%arg30 : memref<!tpu.dma_semaphore, #tpu.memory_space<semaphore_mem>>)
      } else {
      }
      %add3A_262 = arith.constant 2 : i32
      %add3A_263 = arith.addi %add3A_249, %add3A_262 : i32
      %lt3A_264 = arith.constant 125 : i32
      %lt3A_265 = arith.cmpi slt, %add3A_263, %lt3A_264 : i32
      %convert_element_type3A_266 = arith.extui %lt3A_265 : i1 to i32
      %cond3A_267 = arith.constant 0 : i32
      %cond3A_268 = arith.cmpi ne, %convert_element_type3A_266, %cond3A_267 : i32
      scf.if %cond3A_268 {
        %add3A_275 = arith.constant 2 : i32
        %add3A_276 = arith.addi %add3A_249, %add3A_275 : i32
        %mul3A_277 = arith.constant 80 : i32
        %mul3A_278 = arith.muli %add3A_276, %mul3A_277 : i32
        %add3A_279 = arith.addi %mul3A_2, %mul3A_278 : i32
        %dma_wait3A_280 = tpu.memref_slice %arg3[%add3A_279] : memref<320000xi32, #tpu.memory_space<hbm>> -> memref<80xi32, #tpu.memory_space<hbm>>
        %dma_wait3A_281 = tpu.memref_slice %arg3[%add3A_279] : memref<320000xi32, #tpu.memory_space<hbm>> -> memref<80xi32, #tpu.memory_space<hbm>>
        tpu.wait_dma2 semaphore(%arg29 : memref<!tpu.dma_semaphore, #tpu.memory_space<semaphore_mem>>) src(%dma_wait3A_281 : memref<80xi32, #tpu.memory_space<hbm>>) dst(%arg8 : memref<80xi32, #tpu.memory_space<vmem>>)
        %mul3A_282 = arith.constant 80 : i32
        %mul3A_283 = arith.muli %add3A_276, %mul3A_282 : i32
        %add3A_284 = arith.addi %mul3A_2, %mul3A_283 : i32
        %dma_wait3A_285 = tpu.memref_slice %arg4[%add3A_284] : memref<320000xi32, #tpu.memory_space<hbm>> -> memref<80xi32, #tpu.memory_space<hbm>>
        %dma_wait3A_286 = tpu.memref_slice %arg4[%add3A_284] : memref<320000xi32, #tpu.memory_space<hbm>> -> memref<80xi32, #tpu.memory_space<hbm>>
        tpu.wait_dma2 semaphore(%arg29 : memref<!tpu.dma_semaphore, #tpu.memory_space<semaphore_mem>>) src(%dma_wait3A_286 : memref<80xi32, #tpu.memory_space<hbm>>) dst(%arg12 : memref<80xi32, #tpu.memory_space<vmem>>)
        %add3A_287 = arith.constant 2 : i32
        %add3A_288 = arith.addi %add3A_249, %add3A_287 : i32
        %dma_start3A_289 = arith.constant 0 : i32
        %dma_start3A_290 = arith.constant 0 : i32
        %dma_start3A_291 = tpu.memref_slice %arg2[%dma_start3A_289, %dma_start3A_290] : memref<10000x128xf32, #tpu.memory_space<hbm>> -> memref<10000x128xf32, #tpu.memory_space<hbm>>
        tpu.enqueue_indirect_dma source(%dma_start3A_291 : memref<10000x128xf32, #tpu.memory_space<hbm>>) target(%arg16 : memref<80x128xf32, #tpu.memory_space<vmem>>) offsets(%arg8 : memref<80xi32, #tpu.memory_space<vmem>>) semaphore(%arg21 : memref<!tpu.dma_semaphore, #tpu.memory_space<semaphore_mem>>)
      } else {
      }
      %dma_wait3A_269 = arith.constant 0 : i32
      %dma_wait3A_270 = arith.constant 0 : i32
      %dma_wait3A_271 = tpu.memref_slice %arg2[%dma_wait3A_269, %dma_wait3A_270] : memref<10000x128xf32, #tpu.memory_space<hbm>> -> memref<10000x128xf32, #tpu.memory_space<hbm>>
      tpu.wait_indirect_dma semaphore(%arg23 : memref<!tpu.dma_semaphore, #tpu.memory_space<semaphore_mem>>) src(%dma_wait3A_271 : memref<10000x128xf32, #tpu.memory_space<hbm>>) dst(%arg18 : memref<80x128xf32, #tpu.memory_space<vmem>>)
      %dma_start3A_272 = arith.constant 0 : i32
      %dma_start3A_273 = arith.constant 0 : i32
      %dma_start3A_274 = tpu.memref_slice %arg19[%dma_start3A_272, %dma_start3A_273] : memref<10000x128xf32, #tpu.memory_space<vmem_shared>> -> memref<10000x128xf32, #tpu.memory_space<vmem_shared>>
      tpu.enqueue_indirect_dma source(%arg18 : memref<80x128xf32, #tpu.memory_space<vmem>>) target(%dma_start3A_274 : memref<10000x128xf32, #tpu.memory_space<vmem_shared>>) offsets(%arg14 : memref<80xi32, #tpu.memory_space<vmem>>) semaphore(%arg27 : memref<!tpu.dma_semaphore, #tpu.memory_space<semaphore_mem>>) {add = true}
    }
    %scan3A_69 = arith.constant 31 : i32
    %dma_wait3A_70 = arith.constant 0 : i32
    %dma_wait3A_71 = arith.constant 0 : i32
    %dma_wait3A_72 = tpu.memref_slice %arg19[%dma_wait3A_70, %dma_wait3A_71] : memref<10000x128xf32, #tpu.memory_space<vmem_shared>> -> memref<10000x128xf32, #tpu.memory_space<vmem_shared>>
    tpu.wait_indirect_dma semaphore(%arg27 : memref<!tpu.dma_semaphore, #tpu.memory_space<semaphore_mem>>) src(%arg18 : memref<80x128xf32, #tpu.memory_space<vmem>>) dst(%dma_wait3A_72 : memref<10000x128xf32, #tpu.memory_space<vmem_shared>>)
    %dma_wait3A_73 = arith.constant 0 : i32
    %dma_wait3A_74 = arith.constant 0 : i32
    %dma_wait3A_75 = tpu.memref_slice %arg2[%dma_wait3A_73, %dma_wait3A_74] : memref<10000x128xf32, #tpu.memory_space<hbm>> -> memref<10000x128xf32, #tpu.memory_space<hbm>>
    tpu.wait_indirect_dma semaphore(%arg20 : memref<!tpu.dma_semaphore, #tpu.memory_space<semaphore_mem>>) src(%dma_wait3A_75 : memref<10000x128xf32, #tpu.memory_space<hbm>>) dst(%arg15 : memref<80x128xf32, #tpu.memory_space<vmem>>)
    %dma_start3A_76 = arith.constant 0 : i32
    %dma_start3A_77 = arith.constant 0 : i32
    %dma_start3A_78 = tpu.memref_slice %arg19[%dma_start3A_76, %dma_start3A_77] : memref<10000x128xf32, #tpu.memory_space<vmem_shared>> -> memref<10000x128xf32, #tpu.memory_space<vmem_shared>>
    tpu.enqueue_indirect_dma source(%arg15 : memref<80x128xf32, #tpu.memory_space<vmem>>) target(%dma_start3A_78 : memref<10000x128xf32, #tpu.memory_space<vmem_shared>>) offsets(%arg11 : memref<80xi32, #tpu.memory_space<vmem>>) semaphore(%arg24 : memref<!tpu.dma_semaphore, #tpu.memory_space<semaphore_mem>>) {add = true}
    %dma_wait3A_79 = arith.constant 0 : i32
    %dma_wait3A_80 = arith.constant 0 : i32
    %dma_wait3A_81 = tpu.memref_slice %arg19[%dma_wait3A_79, %dma_wait3A_80] : memref<10000x128xf32, #tpu.memory_space<vmem_shared>> -> memref<10000x128xf32, #tpu.memory_space<vmem_shared>>
    tpu.wait_indirect_dma semaphore(%arg24 : memref<!tpu.dma_semaphore, #tpu.memory_space<semaphore_mem>>) src(%arg15 : memref<80x128xf32, #tpu.memory_space<vmem>>) dst(%dma_wait3A_81 : memref<10000x128xf32, #tpu.memory_space<vmem_shared>>)
    %barrier3A_82 = arith.constant 0 : index
    tpu.barrier barrier_id(%barrier3A_82)
    %scan3A_83 = arith.constant 0 : i32
    %scan3A_84 = arith.constant 0 : i32
    %scan3A_85 = arith.constant 8 : i32
    %scan3A_86 = arith.addi %scan3A_84, %scan3A_85 : i32
    %scan3A_87 = arith.constant 1 : i32
    scf.for %scan3A_164 = %scan3A_84 to %scan3A_86 step %scan3A_87  : i32 {
      %mul3A_165 = arith.constant 16 : i32
      %mul3A_166 = arith.muli %scan3A_164, %mul3A_165 : i32
      %add3A_167 = arith.addi %mul3A_166, %arg1 : i32
      %lt3A = arith.constant 125 : i32
      %lt3A_168 = arith.cmpi slt, %add3A_167, %lt3A : i32
      %convert_element_type3A = arith.extui %lt3A_168 : i1 to i32
      %cond3A = arith.constant 0 : i32
      %cond3A_169 = arith.cmpi ne, %convert_element_type3A, %cond3A : i32
      scf.if %cond3A_169 {
        %mul3A_170 = arith.constant 80 : i32
        %mul3A_171 = arith.muli %add3A_167, %mul3A_170 : i32
        %mul3A_172 = arith.constant 10000 : i32
        %mul3A_173 = arith.muli %arg0, %mul3A_172 : i32
        %mul3A_174 = arith.constant 80 : i32
        %mul3A_175 = arith.muli %add3A_167, %mul3A_174 : i32
        %add3A_176 = arith.addi %mul3A_173, %mul3A_175 : i32
        %dma_start3A_177 = arith.constant 0 : i32
        %dma_start3A_178 = tpu.memref_slice %arg5[%add3A_176, %dma_start3A_177] : memref<20000x128xf32, #tpu.memory_space<hbm>> -> memref<80x128xf32, #tpu.memory_space<hbm>>
        %dma_start3A_179 = arith.constant 0 : i32
        %dma_start3A_180 = tpu.memref_slice %arg19[%mul3A_171, %dma_start3A_179] : memref<10000x128xf32, #tpu.memory_space<vmem_shared>> -> memref<80x128xf32, #tpu.memory_space<vmem_shared>>
        tpu.enqueue_dma source(%dma_start3A_180 : memref<80x128xf32, #tpu.memory_space<vmem_shared>>) target(%dma_start3A_178 : memref<80x128xf32, #tpu.memory_space<hbm>>) target_semaphore(%arg20 : memref<!tpu.dma_semaphore, #tpu.memory_space<semaphore_mem>>)
      } else {
      }
    }
    %scan3A_88 = arith.constant 8 : i32
    %scan3A_89 = arith.constant 0 : i32
    %scan3A_90 = arith.constant 0 : i32
    %scan3A_91 = arith.constant 8 : i32
    %scan3A_92 = arith.addi %scan3A_90, %scan3A_91 : i32
    %scan3A_93 = arith.constant 1 : i32
    scf.for %scan3A_164 = %scan3A_90 to %scan3A_92 step %scan3A_93  : i32 {
      %mul3A_165 = arith.constant 16 : i32
      %mul3A_166 = arith.muli %scan3A_164, %mul3A_165 : i32
      %add3A_167 = arith.addi %mul3A_166, %arg1 : i32
      %lt3A = arith.constant 125 : i32
      %lt3A_168 = arith.cmpi slt, %add3A_167, %lt3A : i32
      %convert_element_type3A = arith.extui %lt3A_168 : i1 to i32
      %cond3A = arith.constant 0 : i32
      %cond3A_169 = arith.cmpi ne, %convert_element_type3A, %cond3A : i32
      scf.if %cond3A_169 {
        %mul3A_170 = arith.constant 80 : i32
        %mul3A_171 = arith.muli %add3A_167, %mul3A_170 : i32
        %mul3A_172 = arith.constant 10000 : i32
        %mul3A_173 = arith.muli %arg0, %mul3A_172 : i32
        %mul3A_174 = arith.constant 80 : i32
        %mul3A_175 = arith.muli %add3A_167, %mul3A_174 : i32
        %add3A_176 = arith.addi %mul3A_173, %mul3A_175 : i32
        %dma_wait3A_177 = arith.constant 0 : i32
        %dma_wait3A_178 = tpu.memref_slice %arg5[%add3A_176, %dma_wait3A_177] : memref<20000x128xf32, #tpu.memory_space<hbm>> -> memref<80x128xf32, #tpu.memory_space<hbm>>
        %dma_wait3A_179 = arith.constant 0 : i32
        %dma_wait3A_180 = tpu.memref_slice %arg19[%mul3A_171, %dma_wait3A_179] : memref<10000x128xf32, #tpu.memory_space<vmem_shared>> -> memref<80x128xf32, #tpu.memory_space<vmem_shared>>
        tpu.wait_dma2 semaphore(%arg20 : memref<!tpu.dma_semaphore, #tpu.memory_space<semaphore_mem>>) src(%dma_wait3A_180 : memref<80x128xf32, #tpu.memory_space<vmem_shared>>) dst(%dma_wait3A_178 : memref<80x128xf32, #tpu.memory_space<hbm>>)
      } else {
      }
    }
    %scan3A_94 = arith.constant 8 : i32
    %add3A_95 = arith.constant 0 : i32
    %add3A_96 = arith.addi %mul3A_2, %add3A_95 : i32
    %dma_start3A_97 = tpu.memref_slice %arg4[%add3A_96] : memref<320000xi32, #tpu.memory_space<hbm>> -> memref<80xi32, #tpu.memory_space<hbm>>
    %dma_start3A_98 = tpu.memref_slice %arg4[%add3A_96] : memref<320000xi32, #tpu.memory_space<hbm>> -> memref<80xi32, #tpu.memory_space<hbm>>
    tpu.enqueue_dma source(%dma_start3A_98 : memref<80xi32, #tpu.memory_space<hbm>>) target(%arg11 : memref<80xi32, #tpu.memory_space<vmem>>) target_semaphore(%arg28 : memref<!tpu.dma_semaphore, #tpu.memory_space<semaphore_mem>>)
    %add3A_99 = arith.constant 80 : i32
    %add3A_100 = arith.addi %mul3A_2, %add3A_99 : i32
    %dma_start3A_101 = tpu.memref_slice %arg4[%add3A_100] : memref<320000xi32, #tpu.memory_space<hbm>> -> memref<80xi32, #tpu.memory_space<hbm>>
    %dma_start3A_102 = tpu.memref_slice %arg4[%add3A_100] : memref<320000xi32, #tpu.memory_space<hbm>> -> memref<80xi32, #tpu.memory_space<hbm>>
    tpu.enqueue_dma source(%dma_start3A_102 : memref<80xi32, #tpu.memory_space<hbm>>) target(%arg12 : memref<80xi32, #tpu.memory_space<vmem>>) target_semaphore(%arg29 : memref<!tpu.dma_semaphore, #tpu.memory_space<semaphore_mem>>)
    %add3A_103 = arith.constant 160 : i32
    %add3A_104 = arith.addi %mul3A_2, %add3A_103 : i32
    %dma_start3A_105 = tpu.memref_slice %arg4[%add3A_104] : memref<320000xi32, #tpu.memory_space<hbm>> -> memref<80xi32, #tpu.memory_space<hbm>>
    %dma_start3A_106 = tpu.memref_slice %arg4[%add3A_104] : memref<320000xi32, #tpu.memory_space<hbm>> -> memref<80xi32, #tpu.memory_space<hbm>>
    tpu.enqueue_dma source(%dma_start3A_106 : memref<80xi32, #tpu.memory_space<hbm>>) target(%arg13 : memref<80xi32, #tpu.memory_space<vmem>>) target_semaphore(%arg30 : memref<!tpu.dma_semaphore, #tpu.memory_space<semaphore_mem>>)
    %scan3A_107 = arith.constant 0 : i32
    %scan3A_108 = arith.constant 0 : i32
    %scan3A_109 = arith.constant 640 : i32
    %scan3A_110 = arith.addi %scan3A_108, %scan3A_109 : i32
    %scan3A_111 = arith.constant 1 : i32
    scf.for %scan3A_164 = %scan3A_108 to %scan3A_110 step %scan3A_111  : i32 {
      %jit3A = arith.constant 8 : i32
      %div3A = arith.divsi %scan3A_164, %jit3A : i32
      %sign3A = arith.constant 0 : i32
      %sign3A_165 = arith.cmpi sgt, %scan3A_164, %sign3A : i32
      %sign3A_166 = arith.extui %sign3A_165 : i1 to i32
      %sign3A_167 = arith.constant 0 : i32
      %sign3A_168 = arith.cmpi slt, %scan3A_164, %sign3A_167 : i32
      %sign3A_169 = arith.extui %sign3A_168 : i1 to i32
      %sign3A_170 = arith.subi %sign3A_166, %sign3A_169 : i32
      %sign3A_171 = arith.constant 0 : i32
      %sign3A_172 = arith.cmpi sgt, %jit3A, %sign3A_171 : i32
      %sign3A_173 = arith.extui %sign3A_172 : i1 to i32
      %sign3A_174 = arith.constant 0 : i32
      %sign3A_175 = arith.cmpi slt, %jit3A, %sign3A_174 : i32
      %sign3A_176 = arith.extui %sign3A_175 : i1 to i32
      %sign3A_177 = arith.subi %sign3A_173, %sign3A_176 : i32
      %ne3A = arith.cmpi ne, %sign3A_170, %sign3A_177 : i32
      %rem3A = arith.remsi %scan3A_164, %jit3A : i32
      %ne3A_178 = arith.constant 0 : i32
      %ne3A_179 = arith.cmpi ne, %rem3A, %ne3A_178 : i32
      %and3A = arith.andi %ne3A, %ne3A_179 : i1
      %sub3A = arith.constant 1 : i32
      %sub3A_180 = arith.subi %div3A, %sub3A : i32
      %select_n3A = arith.select %and3A, %sub3A_180, %div3A : i32
      %jit3A_181 = arith.constant 8 : i32
      %eq3A = arith.constant 0 : i32
      %eq3A_182 = arith.cmpi eq, %jit3A_181, %eq3A : i32
      %jit3A_183 = arith.constant 1 : i32
      %select_n3A_184 = arith.select %eq3A_182, %jit3A_183, %jit3A_181 : i32
      %rem3A_185 = arith.remsi %scan3A_164, %select_n3A_184 : i32
      %ne3A_186 = arith.constant 0 : i32
      %ne3A_187 = arith.cmpi ne, %rem3A_185, %ne3A_186 : i32
      %lt3A = arith.constant 0 : i32
      %lt3A_188 = arith.cmpi slt, %rem3A_185, %lt3A : i32
      %lt3A_189 = arith.constant 0 : i32
      %lt3A_190 = arith.cmpi slt, %select_n3A_184, %lt3A_189 : i32
      %ne3A_191 = arith.xori %lt3A_188, %lt3A_190 : i1
      %and3A_192 = arith.andi %ne3A_191, %ne3A_187 : i1
      %add3A_193 = arith.addi %rem3A_185, %select_n3A_184 : i32
      %select_n3A_194 = arith.select %and3A_192, %add3A_193, %rem3A_185 : i32
      %mul3A_195 = arith.constant 16 : i32
      %mul3A_196 = arith.muli %select_n3A_194, %mul3A_195 : i32
      %broadcast_in_dim3A = arith.constant 0.000000e+00 : f32
      %broadcast_in_dim3A_197 = vector.broadcast %broadcast_in_dim3A : f32 to vector<16xf32>
      %swap3A = arith.index_cast %select_n3A : i32 to index
      %swap3A_198 = arith.index_cast %mul3A_196 : i32 to index
      %swap3A_199 = tpu.vector_load %arg16[%swap3A, %swap3A_198] {strides = array<i32>} : memref<80x128xf32, #tpu.memory_space<vmem>>, vector<1x16xf32>,
      %swap3A_200 = vector.shape_cast %swap3A_199 : vector<1x16xf32> to vector<16xf32>
      %swap3A_201 = vector.shape_cast %broadcast_in_dim3A_197 : vector<16xf32> to vector<1x16xf32>
      tpu.vector_store %arg16[%swap3A, %swap3A_198], %swap3A_201 {strides = array<i32>} : memref<80x128xf32, #tpu.memory_space<vmem>>, vector<1x16xf32>,
    }
    %scan3A_112 = arith.constant 640 : i32
    %scan3A_113 = arith.constant 0 : i32
    %scan3A_114 = arith.constant 0 : i32
    %scan3A_115 = arith.constant 640 : i32
    %scan3A_116 = arith.addi %scan3A_114, %scan3A_115 : i32
    %scan3A_117 = arith.constant 1 : i32
    scf.for %scan3A_164 = %scan3A_114 to %scan3A_116 step %scan3A_117  : i32 {
      %jit3A = arith.constant 8 : i32
      %div3A = arith.divsi %scan3A_164, %jit3A : i32
      %sign3A = arith.constant 0 : i32
      %sign3A_165 = arith.cmpi sgt, %scan3A_164, %sign3A : i32
      %sign3A_166 = arith.extui %sign3A_165 : i1 to i32
      %sign3A_167 = arith.constant 0 : i32
      %sign3A_168 = arith.cmpi slt, %scan3A_164, %sign3A_167 : i32
      %sign3A_169 = arith.extui %sign3A_168 : i1 to i32
      %sign3A_170 = arith.subi %sign3A_166, %sign3A_169 : i32
      %sign3A_171 = arith.constant 0 : i32
      %sign3A_172 = arith.cmpi sgt, %jit3A, %sign3A_171 : i32
      %sign3A_173 = arith.extui %sign3A_172 : i1 to i32
      %sign3A_174 = arith.constant 0 : i32
      %sign3A_175 = arith.cmpi slt, %jit3A, %sign3A_174 : i32
      %sign3A_176 = arith.extui %sign3A_175 : i1 to i32
      %sign3A_177 = arith.subi %sign3A_173, %sign3A_176 : i32
      %ne3A = arith.cmpi ne, %sign3A_170, %sign3A_177 : i32
      %rem3A = arith.remsi %scan3A_164, %jit3A : i32
      %ne3A_178 = arith.constant 0 : i32
      %ne3A_179 = arith.cmpi ne, %rem3A, %ne3A_178 : i32
      %and3A = arith.andi %ne3A, %ne3A_179 : i1
      %sub3A = arith.constant 1 : i32
      %sub3A_180 = arith.subi %div3A, %sub3A : i32
      %select_n3A = arith.select %and3A, %sub3A_180, %div3A : i32
      %jit3A_181 = arith.constant 8 : i32
      %eq3A = arith.constant 0 : i32
      %eq3A_182 = arith.cmpi eq, %jit3A_181, %eq3A : i32
      %jit3A_183 = arith.constant 1 : i32
      %select_n3A_184 = arith.select %eq3A_182, %jit3A_183, %jit3A_181 : i32
      %rem3A_185 = arith.remsi %scan3A_164, %select_n3A_184 : i32
      %ne3A_186 = arith.constant 0 : i32
      %ne3A_187 = arith.cmpi ne, %rem3A_185, %ne3A_186 : i32
      %lt3A = arith.constant 0 : i32
      %lt3A_188 = arith.cmpi slt, %rem3A_185, %lt3A : i32
      %lt3A_189 = arith.constant 0 : i32
      %lt3A_190 = arith.cmpi slt, %select_n3A_184, %lt3A_189 : i32
      %ne3A_191 = arith.xori %lt3A_188, %lt3A_190 : i1
      %and3A_192 = arith.andi %ne3A_191, %ne3A_187 : i1
      %add3A_193 = arith.addi %rem3A_185, %select_n3A_184 : i32
      %select_n3A_194 = arith.select %and3A_192, %add3A_193, %rem3A_185 : i32
      %mul3A_195 = arith.constant 16 : i32
      %mul3A_196 = arith.muli %select_n3A_194, %mul3A_195 : i32
      %broadcast_in_dim3A = arith.constant 1.000000e+00 : f32
      %broadcast_in_dim3A_197 = vector.broadcast %broadcast_in_dim3A : f32 to vector<16xf32>
      %swap3A = arith.index_cast %select_n3A : i32 to index
      %swap3A_198 = arith.index_cast %mul3A_196 : i32 to index
      %swap3A_199 = tpu.vector_load %arg15[%swap3A, %swap3A_198] {strides = array<i32>} : memref<80x128xf32, #tpu.memory_space<vmem>>, vector<1x16xf32>,
      %swap3A_200 = vector.shape_cast %swap3A_199 : vector<1x16xf32> to vector<16xf32>
      %swap3A_201 = vector.shape_cast %broadcast_in_dim3A_197 : vector<16xf32> to vector<1x16xf32>
      tpu.vector_store %arg15[%swap3A, %swap3A_198], %swap3A_201 {strides = array<i32>} : memref<80x128xf32, #tpu.memory_space<vmem>>, vector<1x16xf32>,
    }
    %scan3A_118 = arith.constant 640 : i32
    %scan3A_119 = arith.constant 0 : i32
    %scan3A_120 = arith.constant 0 : i32
    %scan3A_121 = arith.constant 8 : i32
    %scan3A_122 = arith.addi %scan3A_120, %scan3A_121 : i32
    %scan3A_123 = arith.constant 1 : i32
    scf.for %scan3A_164 = %scan3A_120 to %scan3A_122 step %scan3A_123  : i32 {
      %mul3A_165 = arith.constant 16 : i32
      %mul3A_166 = arith.muli %scan3A_164, %mul3A_165 : i32
      %add3A_167 = arith.addi %mul3A_166, %arg1 : i32
      %lt3A = arith.constant 125 : i32
      %lt3A_168 = arith.cmpi slt, %add3A_167, %lt3A : i32
      %convert_element_type3A = arith.extui %lt3A_168 : i1 to i32
      %cond3A = arith.constant 0 : i32
      %cond3A_169 = arith.cmpi ne, %convert_element_type3A, %cond3A : i32
      scf.if %cond3A_169 {
        %mul3A_170 = arith.constant 80 : i32
        %mul3A_171 = arith.muli %add3A_167, %mul3A_170 : i32
        %dma_start3A_172 = arith.constant 0 : i32
        %dma_start3A_173 = tpu.memref_slice %arg19[%mul3A_171, %dma_start3A_172] : memref<10000x128xf32, #tpu.memory_space<vmem_shared>> -> memref<80x128xf32, #tpu.memory_space<vmem_shared>>
        %dma_start3A_174 = arith.constant 0 : i32
        %dma_start3A_175 = tpu.memref_slice %arg19[%mul3A_171, %dma_start3A_174] : memref<10000x128xf32, #tpu.memory_space<vmem_shared>> -> memref<80x128xf32, #tpu.memory_space<vmem_shared>>
        tpu.enqueue_dma source(%arg16 : memref<80x128xf32, #tpu.memory_space<vmem>>) target(%dma_start3A_175 : memref<80x128xf32, #tpu.memory_space<vmem_shared>>) target_semaphore(%arg21 : memref<!tpu.dma_semaphore, #tpu.memory_space<semaphore_mem>>)
      } else {
      }
    }
    %scan3A_124 = arith.constant 8 : i32
    %scan3A_125 = arith.constant 0 : i32
    %scan3A_126 = arith.constant 0 : i32
    %scan3A_127 = arith.constant 8 : i32
    %scan3A_128 = arith.addi %scan3A_126, %scan3A_127 : i32
    %scan3A_129 = arith.constant 1 : i32
    scf.for %scan3A_164 = %scan3A_126 to %scan3A_128 step %scan3A_129  : i32 {
      %mul3A_165 = arith.constant 16 : i32
      %mul3A_166 = arith.muli %scan3A_164, %mul3A_165 : i32
      %add3A_167 = arith.addi %mul3A_166, %arg1 : i32
      %lt3A = arith.constant 125 : i32
      %lt3A_168 = arith.cmpi slt, %add3A_167, %lt3A : i32
      %convert_element_type3A = arith.extui %lt3A_168 : i1 to i32
      %cond3A = arith.constant 0 : i32
      %cond3A_169 = arith.cmpi ne, %convert_element_type3A, %cond3A : i32
      scf.if %cond3A_169 {
        %mul3A_170 = arith.constant 80 : i32
        %mul3A_171 = arith.muli %add3A_167, %mul3A_170 : i32
        %dma_wait3A_172 = arith.constant 0 : i32
        %dma_wait3A_173 = tpu.memref_slice %arg19[%mul3A_171, %dma_wait3A_172] : memref<10000x128xf32, #tpu.memory_space<vmem_shared>> -> memref<80x128xf32, #tpu.memory_space<vmem_shared>>
        %dma_wait3A_174 = arith.constant 0 : i32
        %dma_wait3A_175 = tpu.memref_slice %arg19[%mul3A_171, %dma_wait3A_174] : memref<10000x128xf32, #tpu.memory_space<vmem_shared>> -> memref<80x128xf32, #tpu.memory_space<vmem_shared>>
        tpu.wait_dma2 semaphore(%arg21 : memref<!tpu.dma_semaphore, #tpu.memory_space<semaphore_mem>>) src(%arg16 : memref<80x128xf32, #tpu.memory_space<vmem>>) dst(%dma_wait3A_175 : memref<80x128xf32, #tpu.memory_space<vmem_shared>>)
      } else {
      }
    }
    %scan3A_130 = arith.constant 8 : i32
    %barrier3A_131 = arith.constant 0 : index
    tpu.barrier barrier_id(%barrier3A_131)
    %scan3A_132 = arith.constant 0 : i32
    %scan3A_133 = arith.constant 0 : i32
    %scan3A_134 = arith.constant 31 : i32
    %scan3A_135 = arith.addi %scan3A_133, %scan3A_134 : i32
    %scan3A_136 = arith.constant 1 : i32
    scf.for %scan3A_164 = %scan3A_133 to %scan3A_135 step %scan3A_136  : i32 {
      %mul3A_165 = arith.constant 4 : i32
      %mul3A_166 = arith.muli %mul3A_165, %scan3A_164 : i32
      %ge3A = arith.constant 1 : i32
      %ge3A_167 = arith.cmpi sge, %mul3A_166, %ge3A : i32
      %convert_element_type3A = arith.extui %ge3A_167 : i1 to i32
      %cond3A = arith.constant 0 : i32
      %cond3A_168 = arith.cmpi ne, %convert_element_type3A, %cond3A : i32
      scf.if %cond3A_168 {
        %sub3A = arith.constant 1 : i32
        %sub3A_255 = arith.subi %mul3A_166, %sub3A : i32
        %dma_wait3A_256 = arith.constant 0 : i32
        %dma_wait3A_257 = arith.constant 0 : i32
        %dma_wait3A_258 = tpu.memref_slice %arg19[%dma_wait3A_256, %dma_wait3A_257] : memref<10000x128xf32, #tpu.memory_space<vmem_shared>> -> memref<10000x128xf32, #tpu.memory_space<vmem_shared>>
        tpu.wait_indirect_dma semaphore(%arg27 : memref<!tpu.dma_semaphore, #tpu.memory_space<semaphore_mem>>) src(%arg15 : memref<80x128xf32, #tpu.memory_space<vmem>>) dst(%dma_wait3A_258 : memref<10000x128xf32, #tpu.memory_space<vmem_shared>>)
      } else {
      }
      %add3A_169 = arith.constant 3 : i32
      %add3A_170 = arith.addi %mul3A_166, %add3A_169 : i32
      %lt3A = arith.constant 125 : i32
      %lt3A_171 = arith.cmpi slt, %add3A_170, %lt3A : i32
      %convert_element_type3A_172 = arith.extui %lt3A_171 : i1 to i32
      %cond3A_173 = arith.constant 0 : i32
      %cond3A_174 = arith.cmpi ne, %convert_element_type3A_172, %cond3A_173 : i32
      scf.if %cond3A_174 {
        %add3A_255 = arith.constant 3 : i32
        %add3A_256 = arith.addi %mul3A_166, %add3A_255 : i32
        %mul3A_257 = arith.constant 80 : i32
        %mul3A_258 = arith.muli %add3A_256, %mul3A_257 : i32
        %add3A_259 = arith.addi %mul3A_2, %mul3A_258 : i32
        %dma_start3A_260 = tpu.memref_slice %arg4[%add3A_259] : memref<320000xi32, #tpu.memory_space<hbm>> -> memref<80xi32, #tpu.memory_space<hbm>>
        %dma_start3A_261 = tpu.memref_slice %arg4[%add3A_259] : memref<320000xi32, #tpu.memory_space<hbm>> -> memref<80xi32, #tpu.memory_space<hbm>>
        tpu.enqueue_dma source(%dma_start3A_261 : memref<80xi32, #tpu.memory_space<hbm>>) target(%arg14 : memref<80xi32, #tpu.memory_space<vmem>>) target_semaphore(%arg31 : memref<!tpu.dma_semaphore, #tpu.memory_space<semaphore_mem>>)
      } else {
      }
      %mul3A_175 = arith.constant 80 : i32
      %mul3A_176 = arith.muli %mul3A_166, %mul3A_175 : i32
      %add3A_177 = arith.addi %mul3A_2, %mul3A_176 : i32
      %dma_wait3A_178 = tpu.memref_slice %arg4[%add3A_177] : memref<320000xi32, #tpu.memory_space<hbm>> -> memref<80xi32, #tpu.memory_space<hbm>>
      %dma_wait3A_179 = tpu.memref_slice %arg4[%add3A_177] : memref<320000xi32, #tpu.memory_space<hbm>> -> memref<80xi32, #tpu.memory_space<hbm>>
      tpu.wait_dma2 semaphore(%arg28 : memref<!tpu.dma_semaphore, #tpu.memory_space<semaphore_mem>>) src(%dma_wait3A_179 : memref<80xi32, #tpu.memory_space<hbm>>) dst(%arg11 : memref<80xi32, #tpu.memory_space<vmem>>)
      %dma_start3A_180 = arith.constant 0 : i32
      %dma_start3A_181 = arith.constant 0 : i32
      %dma_start3A_182 = tpu.memref_slice %arg19[%dma_start3A_180, %dma_start3A_181] : memref<10000x128xf32, #tpu.memory_space<vmem_shared>> -> memref<10000x128xf32, #tpu.memory_space<vmem_shared>>
      tpu.enqueue_indirect_dma source(%arg15 : memref<80x128xf32, #tpu.memory_space<vmem>>) target(%dma_start3A_182 : memref<10000x128xf32, #tpu.memory_space<vmem_shared>>) offsets(%arg11 : memref<80xi32, #tpu.memory_space<vmem>>) semaphore(%arg24 : memref<!tpu.dma_semaphore, #tpu.memory_space<semaphore_mem>>) {add = true}
      %mul3A_183 = arith.constant 4 : i32
      %mul3A_184 = arith.muli %mul3A_183, %scan3A_164 : i32
      %add3A_185 = arith.constant 1 : i32
      %add3A_186 = arith.addi %mul3A_184, %add3A_185 : i32
      %ge3A_187 = arith.constant 1 : i32
      %ge3A_188 = arith.cmpi sge, %add3A_186, %ge3A_187 : i32
      %convert_element_type3A_189 = arith.extui %ge3A_188 : i1 to i32
      %cond3A_190 = arith.constant 0 : i32
      %cond3A_191 = arith.cmpi ne, %convert_element_type3A_189, %cond3A_190 : i32
      scf.if %cond3A_191 {
        %sub3A = arith.constant 1 : i32
        %sub3A_255 = arith.subi %add3A_186, %sub3A : i32
        %dma_wait3A_256 = arith.constant 0 : i32
        %dma_wait3A_257 = arith.constant 0 : i32
        %dma_wait3A_258 = tpu.memref_slice %arg19[%dma_wait3A_256, %dma_wait3A_257] : memref<10000x128xf32, #tpu.memory_space<vmem_shared>> -> memref<10000x128xf32, #tpu.memory_space<vmem_shared>>
        tpu.wait_indirect_dma semaphore(%arg24 : memref<!tpu.dma_semaphore, #tpu.memory_space<semaphore_mem>>) src(%arg15 : memref<80x128xf32, #tpu.memory_space<vmem>>) dst(%dma_wait3A_258 : memref<10000x128xf32, #tpu.memory_space<vmem_shared>>)
      } else {
      }
      %add3A_192 = arith.constant 3 : i32
      %add3A_193 = arith.addi %add3A_186, %add3A_192 : i32
      %lt3A_194 = arith.constant 125 : i32
      %lt3A_195 = arith.cmpi slt, %add3A_193, %lt3A_194 : i32
      %convert_element_type3A_196 = arith.extui %lt3A_195 : i1 to i32
      %cond3A_197 = arith.constant 0 : i32
      %cond3A_198 = arith.cmpi ne, %convert_element_type3A_196, %cond3A_197 : i32
      scf.if %cond3A_198 {
        %add3A_255 = arith.constant 3 : i32
        %add3A_256 = arith.addi %add3A_186, %add3A_255 : i32
        %mul3A_257 = arith.constant 80 : i32
        %mul3A_258 = arith.muli %add3A_256, %mul3A_257 : i32
        %add3A_259 = arith.addi %mul3A_2, %mul3A_258 : i32
        %dma_start3A_260 = tpu.memref_slice %arg4[%add3A_259] : memref<320000xi32, #tpu.memory_space<hbm>> -> memref<80xi32, #tpu.memory_space<hbm>>
        %dma_start3A_261 = tpu.memref_slice %arg4[%add3A_259] : memref<320000xi32, #tpu.memory_space<hbm>> -> memref<80xi32, #tpu.memory_space<hbm>>
        tpu.enqueue_dma source(%dma_start3A_261 : memref<80xi32, #tpu.memory_space<hbm>>) target(%arg11 : memref<80xi32, #tpu.memory_space<vmem>>) target_semaphore(%arg28 : memref<!tpu.dma_semaphore, #tpu.memory_space<semaphore_mem>>)
      } else {
      }
      %mul3A_199 = arith.constant 80 : i32
      %mul3A_200 = arith.muli %add3A_186, %mul3A_199 : i32
      %add3A_201 = arith.addi %mul3A_2, %mul3A_200 : i32
      %dma_wait3A_202 = tpu.memref_slice %arg4[%add3A_201] : memref<320000xi32, #tpu.memory_space<hbm>> -> memref<80xi32, #tpu.memory_space<hbm>>
      %dma_wait3A_203 = tpu.memref_slice %arg4[%add3A_201] : memref<320000xi32, #tpu.memory_space<hbm>> -> memref<80xi32, #tpu.memory_space<hbm>>
      tpu.wait_dma2 semaphore(%arg29 : memref<!tpu.dma_semaphore, #tpu.memory_space<semaphore_mem>>) src(%dma_wait3A_203 : memref<80xi32, #tpu.memory_space<hbm>>) dst(%arg12 : memref<80xi32, #tpu.memory_space<vmem>>)
      %dma_start3A_204 = arith.constant 0 : i32
      %dma_start3A_205 = arith.constant 0 : i32
      %dma_start3A_206 = tpu.memref_slice %arg19[%dma_start3A_204, %dma_start3A_205] : memref<10000x128xf32, #tpu.memory_space<vmem_shared>> -> memref<10000x128xf32, #tpu.memory_space<vmem_shared>>
      tpu.enqueue_indirect_dma source(%arg15 : memref<80x128xf32, #tpu.memory_space<vmem>>) target(%dma_start3A_206 : memref<10000x128xf32, #tpu.memory_space<vmem_shared>>) offsets(%arg12 : memref<80xi32, #tpu.memory_space<vmem>>) semaphore(%arg25 : memref<!tpu.dma_semaphore, #tpu.memory_space<semaphore_mem>>) {add = true}
      %mul3A_207 = arith.constant 4 : i32
      %mul3A_208 = arith.muli %mul3A_207, %scan3A_164 : i32
      %add3A_209 = arith.constant 2 : i32
      %add3A_210 = arith.addi %mul3A_208, %add3A_209 : i32
      %ge3A_211 = arith.constant 1 : i32
      %ge3A_212 = arith.cmpi sge, %add3A_210, %ge3A_211 : i32
      %convert_element_type3A_213 = arith.extui %ge3A_212 : i1 to i32
      %cond3A_214 = arith.constant 0 : i32
      %cond3A_215 = arith.cmpi ne, %convert_element_type3A_213, %cond3A_214 : i32
      scf.if %cond3A_215 {
        %sub3A = arith.constant 1 : i32
        %sub3A_255 = arith.subi %add3A_210, %sub3A : i32
        %dma_wait3A_256 = arith.constant 0 : i32
        %dma_wait3A_257 = arith.constant 0 : i32
        %dma_wait3A_258 = tpu.memref_slice %arg19[%dma_wait3A_256, %dma_wait3A_257] : memref<10000x128xf32, #tpu.memory_space<vmem_shared>> -> memref<10000x128xf32, #tpu.memory_space<vmem_shared>>
        tpu.wait_indirect_dma semaphore(%arg25 : memref<!tpu.dma_semaphore, #tpu.memory_space<semaphore_mem>>) src(%arg15 : memref<80x128xf32, #tpu.memory_space<vmem>>) dst(%dma_wait3A_258 : memref<10000x128xf32, #tpu.memory_space<vmem_shared>>)
      } else {
      }
      %add3A_216 = arith.constant 3 : i32
      %add3A_217 = arith.addi %add3A_210, %add3A_216 : i32
      %lt3A_218 = arith.constant 125 : i32
      %lt3A_219 = arith.cmpi slt, %add3A_217, %lt3A_218 : i32
      %convert_element_type3A_220 = arith.extui %lt3A_219 : i1 to i32
      %cond3A_221 = arith.constant 0 : i32
      %cond3A_222 = arith.cmpi ne, %convert_element_type3A_220, %cond3A_221 : i32
      scf.if %cond3A_222 {
        %add3A_255 = arith.constant 3 : i32
        %add3A_256 = arith.addi %add3A_210, %add3A_255 : i32
        %mul3A_257 = arith.constant 80 : i32
        %mul3A_258 = arith.muli %add3A_256, %mul3A_257 : i32
        %add3A_259 = arith.addi %mul3A_2, %mul3A_258 : i32
        %dma_start3A_260 = tpu.memref_slice %arg4[%add3A_259] : memref<320000xi32, #tpu.memory_space<hbm>> -> memref<80xi32, #tpu.memory_space<hbm>>
        %dma_start3A_261 = tpu.memref_slice %arg4[%add3A_259] : memref<320000xi32, #tpu.memory_space<hbm>> -> memref<80xi32, #tpu.memory_space<hbm>>
        tpu.enqueue_dma source(%dma_start3A_261 : memref<80xi32, #tpu.memory_space<hbm>>) target(%arg12 : memref<80xi32, #tpu.memory_space<vmem>>) target_semaphore(%arg29 : memref<!tpu.dma_semaphore, #tpu.memory_space<semaphore_mem>>)
      } else {
      }
      %mul3A_223 = arith.constant 80 : i32
      %mul3A_224 = arith.muli %add3A_210, %mul3A_223 : i32
      %add3A_225 = arith.addi %mul3A_2, %mul3A_224 : i32
      %dma_wait3A_226 = tpu.memref_slice %arg4[%add3A_225] : memref<320000xi32, #tpu.memory_space<hbm>> -> memref<80xi32, #tpu.memory_space<hbm>>
      %dma_wait3A_227 = tpu.memref_slice %arg4[%add3A_225] : memref<320000xi32, #tpu.memory_space<hbm>> -> memref<80xi32, #tpu.memory_space<hbm>>
      tpu.wait_dma2 semaphore(%arg30 : memref<!tpu.dma_semaphore, #tpu.memory_space<semaphore_mem>>) src(%dma_wait3A_227 : memref<80xi32, #tpu.memory_space<hbm>>) dst(%arg13 : memref<80xi32, #tpu.memory_space<vmem>>)
      %dma_start3A_228 = arith.constant 0 : i32
      %dma_start3A_229 = arith.constant 0 : i32
      %dma_start3A_230 = tpu.memref_slice %arg19[%dma_start3A_228, %dma_start3A_229] : memref<10000x128xf32, #tpu.memory_space<vmem_shared>> -> memref<10000x128xf32, #tpu.memory_space<vmem_shared>>
      tpu.enqueue_indirect_dma source(%arg15 : memref<80x128xf32, #tpu.memory_space<vmem>>) target(%dma_start3A_230 : memref<10000x128xf32, #tpu.memory_space<vmem_shared>>) offsets(%arg13 : memref<80xi32, #tpu.memory_space<vmem>>) semaphore(%arg26 : memref<!tpu.dma_semaphore, #tpu.memory_space<semaphore_mem>>) {add = true}
      %mul3A_231 = arith.constant 4 : i32
      %mul3A_232 = arith.muli %mul3A_231, %scan3A_164 : i32
      %add3A_233 = arith.constant 3 : i32
      %add3A_234 = arith.addi %mul3A_232, %add3A_233 : i32
      %ge3A_235 = arith.constant 1 : i32
      %ge3A_236 = arith.cmpi sge, %add3A_234, %ge3A_235 : i32
      %convert_element_type3A_237 = arith.extui %ge3A_236 : i1 to i32
      %cond3A_238 = arith.constant 0 : i32
      %cond3A_239 = arith.cmpi ne, %convert_element_type3A_237, %cond3A_238 : i32
      scf.if %cond3A_239 {
        %sub3A = arith.constant 1 : i32
        %sub3A_255 = arith.subi %add3A_234, %sub3A : i32
        %dma_wait3A_256 = arith.constant 0 : i32
        %dma_wait3A_257 = arith.constant 0 : i32
        %dma_wait3A_258 = tpu.memref_slice %arg19[%dma_wait3A_256, %dma_wait3A_257] : memref<10000x128xf32, #tpu.memory_space<vmem_shared>> -> memref<10000x128xf32, #tpu.memory_space<vmem_shared>>
        tpu.wait_indirect_dma semaphore(%arg26 : memref<!tpu.dma_semaphore, #tpu.memory_space<semaphore_mem>>) src(%arg15 : memref<80x128xf32, #tpu.memory_space<vmem>>) dst(%dma_wait3A_258 : memref<10000x128xf32, #tpu.memory_space<vmem_shared>>)
      } else {
      }
      %add3A_240 = arith.constant 3 : i32
      %add3A_241 = arith.addi %add3A_234, %add3A_240 : i32
      %lt3A_242 = arith.constant 125 : i32
      %lt3A_243 = arith.cmpi slt, %add3A_241, %lt3A_242 : i32
      %convert_element_type3A_244 = arith.extui %lt3A_243 : i1 to i32
      %cond3A_245 = arith.constant 0 : i32
      %cond3A_246 = arith.cmpi ne, %convert_element_type3A_244, %cond3A_245 : i32
      scf.if %cond3A_246 {
        %add3A_255 = arith.constant 3 : i32
        %add3A_256 = arith.addi %add3A_234, %add3A_255 : i32
        %mul3A_257 = arith.constant 80 : i32
        %mul3A_258 = arith.muli %add3A_256, %mul3A_257 : i32
        %add3A_259 = arith.addi %mul3A_2, %mul3A_258 : i32
        %dma_start3A_260 = tpu.memref_slice %arg4[%add3A_259] : memref<320000xi32, #tpu.memory_space<hbm>> -> memref<80xi32, #tpu.memory_space<hbm>>
        %dma_start3A_261 = tpu.memref_slice %arg4[%add3A_259] : memref<320000xi32, #tpu.memory_space<hbm>> -> memref<80xi32, #tpu.memory_space<hbm>>
        tpu.enqueue_dma source(%dma_start3A_261 : memref<80xi32, #tpu.memory_space<hbm>>) target(%arg13 : memref<80xi32, #tpu.memory_space<vmem>>) target_semaphore(%arg30 : memref<!tpu.dma_semaphore, #tpu.memory_space<semaphore_mem>>)
      } else {
      }
      %mul3A_247 = arith.constant 80 : i32
      %mul3A_248 = arith.muli %add3A_234, %mul3A_247 : i32
      %add3A_249 = arith.addi %mul3A_2, %mul3A_248 : i32
      %dma_wait3A_250 = tpu.memref_slice %arg4[%add3A_249] : memref<320000xi32, #tpu.memory_space<hbm>> -> memref<80xi32, #tpu.memory_space<hbm>>
      %dma_wait3A_251 = tpu.memref_slice %arg4[%add3A_249] : memref<320000xi32, #tpu.memory_space<hbm>> -> memref<80xi32, #tpu.memory_space<hbm>>
      tpu.wait_dma2 semaphore(%arg31 : memref<!tpu.dma_semaphore, #tpu.memory_space<semaphore_mem>>) src(%dma_wait3A_251 : memref<80xi32, #tpu.memory_space<hbm>>) dst(%arg14 : memref<80xi32, #tpu.memory_space<vmem>>)
      %dma_start3A_252 = arith.constant 0 : i32
      %dma_start3A_253 = arith.constant 0 : i32
      %dma_start3A_254 = tpu.memref_slice %arg19[%dma_start3A_252, %dma_start3A_253] : memref<10000x128xf32, #tpu.memory_space<vmem_shared>> -> memref<10000x128xf32, #tpu.memory_space<vmem_shared>>
      tpu.enqueue_indirect_dma source(%arg15 : memref<80x128xf32, #tpu.memory_space<vmem>>) target(%dma_start3A_254 : memref<10000x128xf32, #tpu.memory_space<vmem_shared>>) offsets(%arg14 : memref<80xi32, #tpu.memory_space<vmem>>) semaphore(%arg27 : memref<!tpu.dma_semaphore, #tpu.memory_space<semaphore_mem>>) {add = true}
    }
    %scan3A_137 = arith.constant 31 : i32
    %dma_wait3A_138 = arith.constant 0 : i32
    %dma_wait3A_139 = arith.constant 0 : i32
    %dma_wait3A_140 = tpu.memref_slice %arg19[%dma_wait3A_138, %dma_wait3A_139] : memref<10000x128xf32, #tpu.memory_space<vmem_shared>> -> memref<10000x128xf32, #tpu.memory_space<vmem_shared>>
    tpu.wait_indirect_dma semaphore(%arg27 : memref<!tpu.dma_semaphore, #tpu.memory_space<semaphore_mem>>) src(%arg15 : memref<80x128xf32, #tpu.memory_space<vmem>>) dst(%dma_wait3A_140 : memref<10000x128xf32, #tpu.memory_space<vmem_shared>>)
    %add3A_141 = arith.constant 9920 : i32
    %add3A_142 = arith.addi %mul3A_2, %add3A_141 : i32
    %dma_wait3A_143 = tpu.memref_slice %arg4[%add3A_142] : memref<320000xi32, #tpu.memory_space<hbm>> -> memref<80xi32, #tpu.memory_space<hbm>>
    %dma_wait3A_144 = tpu.memref_slice %arg4[%add3A_142] : memref<320000xi32, #tpu.memory_space<hbm>> -> memref<80xi32, #tpu.memory_space<hbm>>
    tpu.wait_dma2 semaphore(%arg28 : memref<!tpu.dma_semaphore, #tpu.memory_space<semaphore_mem>>) src(%dma_wait3A_144 : memref<80xi32, #tpu.memory_space<hbm>>) dst(%arg11 : memref<80xi32, #tpu.memory_space<vmem>>)
    %dma_start3A_145 = arith.constant 0 : i32
    %dma_start3A_146 = arith.constant 0 : i32
    %dma_start3A_147 = tpu.memref_slice %arg19[%dma_start3A_145, %dma_start3A_146] : memref<10000x128xf32, #tpu.memory_space<vmem_shared>> -> memref<10000x128xf32, #tpu.memory_space<vmem_shared>>
    tpu.enqueue_indirect_dma source(%arg15 : memref<80x128xf32, #tpu.memory_space<vmem>>) target(%dma_start3A_147 : memref<10000x128xf32, #tpu.memory_space<vmem_shared>>) offsets(%arg11 : memref<80xi32, #tpu.memory_space<vmem>>) semaphore(%arg24 : memref<!tpu.dma_semaphore, #tpu.memory_space<semaphore_mem>>) {add = true}
    %dma_wait3A_148 = arith.constant 0 : i32
    %dma_wait3A_149 = arith.constant 0 : i32
    %dma_wait3A_150 = tpu.memref_slice %arg19[%dma_wait3A_148, %dma_wait3A_149] : memref<10000x128xf32, #tpu.memory_space<vmem_shared>> -> memref<10000x128xf32, #tpu.memory_space<vmem_shared>>
    tpu.wait_indirect_dma semaphore(%arg24 : memref<!tpu.dma_semaphore, #tpu.memory_space<semaphore_mem>>) src(%arg15 : memref<80x128xf32, #tpu.memory_space<vmem>>) dst(%dma_wait3A_150 : memref<10000x128xf32, #tpu.memory_space<vmem_shared>>)
    %barrier3A_151 = arith.constant 0 : index
    tpu.barrier barrier_id(%barrier3A_151)
    %scan3A_152 = arith.constant 0 : i32
    %scan3A_153 = arith.constant 0 : i32
    %scan3A_154 = arith.constant 8 : i32
    %scan3A_155 = arith.addi %scan3A_153, %scan3A_154 : i32
    %scan3A_156 = arith.constant 1 : i32
    scf.for %scan3A_164 = %scan3A_153 to %scan3A_155 step %scan3A_156  : i32 {
      %mul3A_165 = arith.constant 16 : i32
      %mul3A_166 = arith.muli %scan3A_164, %mul3A_165 : i32
      %add3A_167 = arith.addi %mul3A_166, %arg1 : i32
      %lt3A = arith.constant 125 : i32
      %lt3A_168 = arith.cmpi slt, %add3A_167, %lt3A : i32
      %convert_element_type3A = arith.extui %lt3A_168 : i1 to i32
      %cond3A = arith.constant 0 : i32
      %cond3A_169 = arith.cmpi ne, %convert_element_type3A, %cond3A : i32
      scf.if %cond3A_169 {
        %mul3A_170 = arith.constant 80 : i32
        %mul3A_171 = arith.muli %add3A_167, %mul3A_170 : i32
        %mul3A_172 = arith.constant 10000 : i32
        %mul3A_173 = arith.muli %arg0, %mul3A_172 : i32
        %mul3A_174 = arith.constant 80 : i32
        %mul3A_175 = arith.muli %add3A_167, %mul3A_174 : i32
        %add3A_176 = arith.addi %mul3A_173, %mul3A_175 : i32
        %dma_start3A_177 = arith.constant 0 : i32
        %dma_start3A_178 = tpu.memref_slice %arg6[%add3A_176, %dma_start3A_177] : memref<20000x128xf32, #tpu.memory_space<hbm>> -> memref<80x128xf32, #tpu.memory_space<hbm>>
        %dma_start3A_179 = arith.constant 0 : i32
        %dma_start3A_180 = tpu.memref_slice %arg19[%mul3A_171, %dma_start3A_179] : memref<10000x128xf32, #tpu.memory_space<vmem_shared>> -> memref<80x128xf32, #tpu.memory_space<vmem_shared>>
        tpu.enqueue_dma source(%dma_start3A_180 : memref<80x128xf32, #tpu.memory_space<vmem_shared>>) target(%dma_start3A_178 : memref<80x128xf32, #tpu.memory_space<hbm>>) target_semaphore(%arg20 : memref<!tpu.dma_semaphore, #tpu.memory_space<semaphore_mem>>)
      } else {
      }
    }
    %scan3A_157 = arith.constant 8 : i32
    %scan3A_158 = arith.constant 0 : i32
    %scan3A_159 = arith.constant 0 : i32
    %scan3A_160 = arith.constant 8 : i32
    %scan3A_161 = arith.addi %scan3A_159, %scan3A_160 : i32
    %scan3A_162 = arith.constant 1 : i32
    scf.for %scan3A_164 = %scan3A_159 to %scan3A_161 step %scan3A_162  : i32 {
      %mul3A_165 = arith.constant 16 : i32
      %mul3A_166 = arith.muli %scan3A_164, %mul3A_165 : i32
      %add3A_167 = arith.addi %mul3A_166, %arg1 : i32
      %lt3A = arith.constant 125 : i32
      %lt3A_168 = arith.cmpi slt, %add3A_167, %lt3A : i32
      %convert_element_type3A = arith.extui %lt3A_168 : i1 to i32
      %cond3A = arith.constant 0 : i32
      %cond3A_169 = arith.cmpi ne, %convert_element_type3A, %cond3A : i32
      scf.if %cond3A_169 {
        %mul3A_170 = arith.constant 80 : i32
        %mul3A_171 = arith.muli %add3A_167, %mul3A_170 : i32
        %mul3A_172 = arith.constant 10000 : i32
        %mul3A_173 = arith.muli %arg0, %mul3A_172 : i32
        %mul3A_174 = arith.constant 80 : i32
        %mul3A_175 = arith.muli %add3A_167, %mul3A_174 : i32
        %add3A_176 = arith.addi %mul3A_173, %mul3A_175 : i32
        %dma_wait3A_177 = arith.constant 0 : i32
        %dma_wait3A_178 = tpu.memref_slice %arg6[%add3A_176, %dma_wait3A_177] : memref<20000x128xf32, #tpu.memory_space<hbm>> -> memref<80x128xf32, #tpu.memory_space<hbm>>
        %dma_wait3A_179 = arith.constant 0 : i32
        %dma_wait3A_180 = tpu.memref_slice %arg19[%mul3A_171, %dma_wait3A_179] : memref<10000x128xf32, #tpu.memory_space<vmem_shared>> -> memref<80x128xf32, #tpu.memory_space<vmem_shared>>
        tpu.wait_dma2 semaphore(%arg20 : memref<!tpu.dma_semaphore, #tpu.memory_space<semaphore_mem>>) src(%dma_wait3A_180 : memref<80x128xf32, #tpu.memory_space<vmem_shared>>) dst(%dma_wait3A_178 : memref<80x128xf32, #tpu.memory_space<hbm>>)
      } else {
      }
    }
    %scan3A_163 = arith.constant 8 : i32
    return
  }
}

module attributes {stable_mosaic.version = 14 : i64} {
  func.func @body(%arg0: i32, %arg1: memref<1000x128xf32, #tpu.memory_space<vmem>>, %arg2: memref<1000x128xf32, #tpu.memory_space<vmem>>, %arg3: memref<1000x128xf32, #tpu.memory_space<vmem>>, %arg4: memref<1000x128xf32, #tpu.memory_space<vmem>>, %arg5: memref<1000x128xf32, #tpu.memory_space<vmem>>, %arg6: memref<128x128xf32, #tpu.memory_space<vmem>>, %arg7: memref<1x128xf32, #tpu.memory_space<vmem>>, %arg8: memref<128x128xf32, #tpu.memory_space<vmem>>, %arg9: memref<1000x128xf32, #tpu.memory_space<vmem>>) attributes {dimension_semantics = [#tpu.dimension_semantics<arbitrary>], iteration_bounds = array<i64: 10>, scalar_prefetch = 0 : i64, scratch_operands = 0 : i64, tpu.core_type = #tpu.core_type<tc>, window_params = [{transform_indices = @transform_0, window_bounds = array<i64: 1000, 128>}, {transform_indices = @transform_1, window_bounds = array<i64: 1000, 128>}, {transform_indices = @transform_2, window_bounds = array<i64: 1000, 128>}, {transform_indices = @transform_3, window_bounds = array<i64: 1000, 128>}, {transform_indices = @transform_4, window_bounds = array<i64: 1000, 128>}, {pipeline_mode = #tpu.pipeline_mode<synchronous>, transform_indices = @transform_5, window_bounds = array<i64: 128, 128>}, {pipeline_mode = #tpu.pipeline_mode<synchronous>, transform_indices = @transform_6, window_bounds = array<i64: 1, 128>}, {pipeline_mode = #tpu.pipeline_mode<synchronous>, transform_indices = @transform_7, window_bounds = array<i64: 128, 128>}, {transform_indices = @transform_8, window_bounds = array<i64: 1000, 128>}]} {
    %get3A = arith.constant 0 : index
    %get3A_0 = arith.constant 0 : index
    %get3A_1 = vector.load %arg1[%get3A, %get3A_0] : memref<1000x128xf32, #tpu.memory_space<vmem>>, vector<1000x128xf32>
    %get3A_2 = arith.constant 0 : index
    %get3A_3 = arith.constant 0 : index
    %get3A_4 = vector.load %arg2[%get3A_2, %get3A_3] : memref<1000x128xf32, #tpu.memory_space<vmem>>, vector<1000x128xf32>
    %add3A = arith.addf %get3A_1, %get3A_4 : vector<1000x128xf32>
    %get3A_5 = arith.constant 0 : index
    %get3A_6 = arith.constant 0 : index
    %get3A_7 = vector.load %arg3[%get3A_5, %get3A_6] : memref<1000x128xf32, #tpu.memory_space<vmem>>, vector<1000x1xf32>
    %get3A_8 = arith.constant 0 : index
    %get3A_9 = arith.constant 0 : index
    %get3A_10 = vector.load %arg4[%get3A_8, %get3A_9] : memref<1000x128xf32, #tpu.memory_space<vmem>>, vector<1000x1xf32>
    %add3A_11 = arith.addf %get3A_7, %get3A_10 : vector<1000x1xf32>
    %max3A = arith.constant 1.000000e+00 : f32
    %max3A_12 = vector.broadcast %max3A : f32 to vector<1000x1xf32>
    %max3A_13 = arith.maximumf %add3A_11, %max3A_12 : vector<1000x1xf32>
    %div3A = vector.broadcast %max3A_13 : vector<1000x1xf32> to vector<1000x128xf32>
    %div3A_14 = arith.divf %add3A, %div3A : vector<1000x128xf32>
    %get3A_15 = arith.constant 0 : index
    %get3A_16 = arith.constant 0 : index
    %get3A_17 = vector.load %arg6[%get3A_15, %get3A_16] : memref<128x128xf32, #tpu.memory_space<vmem>>, vector<128x128xf32>
    %dot_general3A = arith.constant dense<0.000000e+00> : vector<1000x128xf32>
    %dot_general3A_18 = tpu.matmul %div3A_14, %get3A_17, %dot_general3A {dimension_numbers = #tpu.dot_dimension_numbers<[1], [0], [0], [1], [0, 0, 1, 1], [], []>, transpose_lhs_hint = false} : vector<1000x128xf32>, vector<128x128xf32>, vector<1000x128xf32> -> vector<1000x128xf32>
    %get3A_19 = arith.constant 0 : index
    %get3A_20 = arith.constant 0 : index
    %get3A_21 = vector.load %arg7[%get3A_19, %get3A_20] : memref<1x128xf32, #tpu.memory_space<vmem>>, vector<1x128xf32>
    %add3A_22 = vector.broadcast %get3A_21 : vector<1x128xf32> to vector<1000x128xf32>
    %add3A_23 = arith.addf %dot_general3A_18, %add3A_22 : vector<1000x128xf32>
    %get3A_24 = arith.constant 0 : index
    %get3A_25 = arith.constant 0 : index
    %get3A_26 = vector.load %arg5[%get3A_24, %get3A_25] : memref<1000x128xf32, #tpu.memory_space<vmem>>, vector<1000x128xf32>
    %get3A_27 = arith.constant 0 : index
    %get3A_28 = arith.constant 0 : index
    %get3A_29 = vector.load %arg8[%get3A_27, %get3A_28] : memref<128x128xf32, #tpu.memory_space<vmem>>, vector<128x128xf32>
    %dot_general3A_30 = arith.constant dense<0.000000e+00> : vector<1000x128xf32>
    %dot_general3A_31 = tpu.matmul %get3A_26, %get3A_29, %dot_general3A_30 {dimension_numbers = #tpu.dot_dimension_numbers<[1], [0], [0], [1], [0, 0, 1, 1], [], []>, transpose_lhs_hint = false} : vector<1000x128xf32>, vector<128x128xf32>, vector<1000x128xf32> -> vector<1000x128xf32>
    %add3A_32 = arith.addf %add3A_23, %dot_general3A_31 : vector<1000x128xf32>
    %gt3A = arith.constant 0.000000e+00 : f32
    %gt3A_33 = vector.broadcast %gt3A : f32 to vector<1000x128xf32>
    %gt3A_34 = arith.cmpf ogt, %add3A_32, %gt3A_33 : vector<1000x128xf32>
    %exp3A = math.exp %add3A_32 : vector<1000x128xf32>
    %sub3A = arith.constant 1.000000e+00 : f32
    %sub3A_35 = vector.broadcast %sub3A : f32 to vector<1000x128xf32>
    %sub3A_36 = arith.subf %exp3A, %sub3A_35 : vector<1000x128xf32>
    %select_n3A = arith.select %gt3A_34, %add3A_32, %sub3A_36 : vector<1000x128xi1>, vector<1000x128xf32>
    %swap3A = arith.constant 0 : index
    %swap3A_37 = arith.constant 0 : index
    %swap3A_38 = vector.load %arg9[%swap3A, %swap3A_37] : memref<1000x128xf32, #tpu.memory_space<vmem>>, vector<1000x128xf32>
    tpu.vector_store %arg9[%swap3A, %swap3A_37], %select_n3A {strides = array<i32>} : memref<1000x128xf32, #tpu.memory_space<vmem>>, vector<1000x128xf32>,
    return
  }
  func.func @transform_0(%arg0: i32) -> (i32, i32) {
    %c0_i32 = arith.constant 0 : i32
    %c0_i32_0 = arith.constant 0 : i32
    return %arg0, %c0_i32 : i32, i32
  }
  func.func @transform_1(%arg0: i32) -> (i32, i32) {
    %add3A = arith.constant 10 : i32
    %add3A_0 = arith.addi %arg0, %add3A : i32
    %c0_i32 = arith.constant 0 : i32
    %c0_i32_1 = arith.constant 0 : i32
    return %add3A_0, %c0_i32 : i32, i32
  }
  func.func @transform_2(%arg0: i32) -> (i32, i32) {
    %c0_i32 = arith.constant 0 : i32
    %c0_i32_0 = arith.constant 0 : i32
    return %arg0, %c0_i32 : i32, i32
  }
  func.func @transform_3(%arg0: i32) -> (i32, i32) {
    %add3A = arith.constant 10 : i32
    %add3A_0 = arith.addi %arg0, %add3A : i32
    %c0_i32 = arith.constant 0 : i32
    %c0_i32_1 = arith.constant 0 : i32
    return %add3A_0, %c0_i32 : i32, i32
  }
  func.func @transform_4(%arg0: i32) -> (i32, i32) {
    %c0_i32 = arith.constant 0 : i32
    %c0_i32_0 = arith.constant 0 : i32
    return %arg0, %c0_i32 : i32, i32
  }
  func.func @transform_5(%arg0: i32) -> (i32, i32) {
    %c0_i32 = arith.constant 0 : i32
    %c0_i32_0 = arith.constant 0 : i32
    %c0_i32_1 = arith.constant 0 : i32
    return %c0_i32, %c0_i32_0 : i32, i32
  }
  func.func @transform_6(%arg0: i32) -> (i32, i32) {
    %c0_i32 = arith.constant 0 : i32
    %c0_i32_0 = arith.constant 0 : i32
    %c0_i32_1 = arith.constant 0 : i32
    return %c0_i32, %c0_i32_0 : i32, i32
  }
  func.func @transform_7(%arg0: i32) -> (i32, i32) {
    %c0_i32 = arith.constant 0 : i32
    %c0_i32_0 = arith.constant 0 : i32
    %c0_i32_1 = arith.constant 0 : i32
    return %c0_i32, %c0_i32_0 : i32, i32
  }
  func.func @transform_8(%arg0: i32) -> (i32, i32) {
    %c0_i32 = arith.constant 0 : i32
    %c0_i32_0 = arith.constant 0 : i32
    return %arg0, %c0_i32 : i32, i32
  }
}

</mosaic_0001>

<sc_bundles>
// kernel: kernel.4.cloned.1.call-start
scs
__scs_entry_jumppad:
0x0: {  	(pc) =	sbr.rel $0x88, $3  }
0x1: {  	(tag) =	ssettag $0x0;
	lr =	simm.s32 $0x1  }
0x2: {  	[smem:$0x3F9C] =	sst lr;
	_ =	strace $0xD0000000  }
0x3: {  	_ = 	snop  }
0x4: {  	_ = 	snop  }
0x5: {  	_ = 	snop  }
0x6: {  	_ = 	snop  }
0x7: {  	_ = 	snop  }
__scs_overlays_trampoline_lowered:
0x8: {  	[smem:$0x3FAB] =	sst s0  }
0x9: {  	[smem:$0x3FAC] =	sst s1  }
0xa: {  	[smem:$0x3FAD] =	sst s2  }
0xb: {  	[smem:$0x3FAE] =	sst s3  }
0xc: {  	[smem:$0x3FAF] =	sst s4  }
0xd: {  	[smem:$0x3FB0] =	sst s5  }
0xe: {  	[smem:$0x3FB1] =	sst s6  }
0xf: {  	[smem:$0x3FB2] =	sst s7  }
0x10: {  	[smem:$0x3FB3] =	sst s8  }
0x11: {  	[smem:$0x3FB4] =	sst s9;
	s0 =	simm.s32 @!p0 $0x0  }
0x12: {  	s1 =	sld [smem:$0x3F9A];
	s0 =	simm.s32 @p0 $0x1  }
0x13: {  	[smem:$0x3FB5] =	sst s0;
	s0 =	simm.s32 @!p1 $0x0  }
0x14: {  	s2 =	sld [smem:$0x3F99];
	s0 =	simm.s32 @p1 $0x1  }
0x15: {  	[smem:$0x3FB6] =	sst s0;
	s0 =	simm.s32 @!p2 $0x0  }
0x16: {  	s3 =	sld [smem:$0x3FDB];
	s0 =	simm.s32 @p2 $0x1  }
0x17: {  	s4 =	simm.s32 $0x1BF5;
	[smem:$0x3FB8] =	sst s0  }
0x18: {  	s0 =	sld [smem:$0x3F9B];
	_ =	swait.ge [sflag:s4], $0x0  }
0x19: {  	s7 =	sld [smem:$0x3F9C]  }
0x1a: {  	s8 =	sadd.s32 $0xFFFFE003, lr  }
0x1b: {  	s9 =	sadd.s32 $0xFFFFFEF7, lr;
	s5 =	simm.s32 $0xFFFFFFFF;
	p2 =	slt.u32 s8, $0xFFFFF086  }
0x1c: {  	p1 =	slt.u32 s9, $0xF7A;
	s5 =	simm.s32 @!p2 $0x0  }
0x1d: {  	s5 =	simm.s32 @p1 $0x1;
	p0 =	seq.s32 s7, s2  }
0x1e: {  	s7 =	smul.u32 @!p0 $0xF7A, s2;
	p2 =	seq.s32 @!p0 s5, $0x0  }
0x1f: {  	s9 =	smul.u32 $0xF7A, s1;
	s8 =	simm.s32 @!p0 $0x1BF5;
	p2 =	por !p2, p0  }
0x20: {  	[sflag:s8] =	ssyncset.s32 @!p0 $0xFFFFF086;
	s6 =	sadd.s32 @!p0 s3, s7;
	s7 =	simm.s32 @!p0 $0x108  }
0x21: {  	s3 =	sadd.s32 s3, s9;
	s6 =	sadd.s32 @!p0 $0x88, s6;
	s7 =	simm.s32 @p2 $0x1082  }
0x22: {  	[simem:s7], [sflag:s8] =	dma.local @!p0 [hbm:s6], $0xF7A  }
0x23: {  	s9 =	sor.u32 $0xD0000000, s2;
	s6 =	simm.s32 $0x108;
	_ =	swait.ge @!p0 [sflag:s8], $0x0  }
0x24: {  	s3 =	sadd.s32 $0x88, s3;
	s6 =	simm.s32 @!p1 $0x1082;
	[sflag:s4] =	ssyncset.s32 $0xFFFFF086  }
0x25: {  	[simem:s6], [sflag:s4] =	dma.local [hbm:s3], $0xF7A  }
0x26: {  	[smem:$0x3F9C] =	sst s1;
	(tag) =	ssettag s2;
	_ =	strace s9  }
0x27: {  	s1 =	sld [smem:$0x3FAC]  }
0x28: {  	s2 =	sld [smem:$0x3FAD]  }
0x29: {  	s4 =	sld [smem:$0x3FAF]  }
0x2a: {  	p0 =	seq.s32 s5, $0x0;
	s5 =	sld [smem:$0x3FB0]  }
0x2b: {  	s6 =	sld [smem:$0x3FB1]  }
0x2c: {  	s7 =	sld [smem:$0x3FB2]  }
0x2d: {  	s3 =	simm.s32 $0x108;
	s8 =	sld [smem:$0x3FB3]  }
0x2e: {  	s3 =	simm.s32 @!p0 $0x1082;
	s9 =	sld [smem:$0x3FB4]  }
0x2f: {  	lr =	sadd.s32 s0, s3;
	s0 =	sld [smem:$0x3FAB]  }
0x30: {  	s3 =	sld [smem:$0x3FAE]  }
0x31: {  	[smem:$0x3FB7] =	sst s10  }
0x32: {  	s10 =	sld [smem:$0x3FB5];
	_ =	sdelay $0x3  }
0x33: {  	p0 =	seq.s32 s10, $0x1;
	s10 =	sld [smem:$0x3FB7];
	_ =	sdelay $0x3  }
0x34: {  	[smem:$0x3FB7] =	sst s10  }
0x35: {  	s10 =	sld [smem:$0x3FB6];
	_ =	sdelay $0x3  }
0x36: {  	p1 =	seq.s32 s10, $0x1;
	s10 =	sld [smem:$0x3FB7];
	_ =	sdelay $0x3  }
0x37: {  	[smem:$0x3FB7] =	sst s10  }
0x38: {  	s10 =	sld [smem:$0x3FB8]  }
0x39: {  	_ = 	snop;
	(pc) =	sbr.ind lr, $3  }
0x3a: {  	_ = 	snop  }
0x3b: {  	_ = 	snop  }
0x3c: {  	p2 =	seq.s32 s10, $0x1;
	s10 =	sld [smem:$0x3FB7]  }
0x3d: {  	_ =	shalt  }
0x3e: {  	_ =	shalt  }
0x3f: {  	_ =	shalt  }
0x40: {  	_ =	shalt  }
0x41: {  	_ =	shalt  }
0x42: {  	_ =	shalt  }
0x43: {  	_ =	shalt  }
0x44: {  	_ =	shalt  }
0x45: {  	_ =	shalt  }
0x46: {  	_ =	shalt  }
0x47: {  	_ =	shalt  }
0x48: {  	_ =	shalt  }
0x49: {  	_ =	shalt  }
0x4a: {  	_ =	shalt  }
0x4b: {  	_ =	shalt  }
0x4c: {  	_ =	shalt  }
0x4d: {  	_ =	shalt  }
0x4e: {  	_ =	shalt  }
0x4f: {  	_ =	shalt  }
0x50: {  	_ =	shalt  }
0x51: {  	_ =	shalt  }
0x52: {  	_ =	shalt  }
0x53: {  	_ =	shalt  }
0x54: {  	_ =	shalt  }
0x55: {  	_ =	shalt  }
0x56: {  	_ =	shalt  }
0x57: {  	_ =	shalt  }
0x58: {  	_ =	shalt  }
0x59: {  	_ =	shalt  }
0x5a: {  	_ =	shalt  }
0x5b: {  	_ =	shalt  }
0x5c: {  	_ =	shalt  }
0x5d: {  	_ =	shalt  }
0x5e: {  	_ =	shalt  }
0x5f: {  	_ =	shalt  }
0x60: {  	_ =	shalt  }
0x61: {  	_ =	shalt  }
0x62: {  	_ =	shalt  }
0x63: {  	_ =	shalt  }
0x64: {  	_ =	shalt  }
0x65: {  	_ =	shalt  }
0x66: {  	_ =	shalt  }
0x67: {  	_ =	shalt  }
0x68: {  	_ =	shalt  }
0x69: {  	_ =	shalt  }
0x6a: {  	_ =	shalt  }
0x6b: {  	_ =	shalt  }
0x6c: {  	_ =	shalt  }
0x6d: {  	_ =	shalt  }
0x6e: {  	_ =	shalt  }
0x6f: {  	_ =	shalt  }
0x70: {  	_ =	shalt  }
0x71: {  	_ =	shalt  }
0x72: {  	_ =	shalt  }
0x73: {  	_ =	shalt  }
0x74: {  	_ =	shalt  }
0x75: {  	_ =	shalt  }
0x76: {  	_ =	shalt  }
0x77: {  	_ =	shalt  }
0x78: {  	_ =	shalt  }
0x79: {  	_ =	shalt  }
0x7a: {  	_ =	shalt  }
0x7b: {  	_ =	shalt  }
0x7c: {  	_ =	shalt  }
0x7d: {  	_ =	shalt  }
0x7e: {  	_ =	shalt  }
0x7f: {  	_ =	shalt  }
0x80: {  	_ =	shalt  }
0x81: {  	_ =	shalt  }
0x82: {  	_ =	shalt  }
0x83: {  	_ =	shalt  }
0x84: {  	_ =	shalt  }
0x85: {  	_ =	shalt  }
0x86: {  	_ =	shalt  }
0x87: {  	_ =	shalt  }
.Lfunc_end0:
.L_simem_size_0:
called_computation_lowered:
.L_overlay_start_0:
0x88: {  	s2 =	sld [smem:$0x3FD9]  }
0x89: {  	s3 =	sld [smem:$0x3FFE];
	_ =	sdelay $0x1  }
0x8a: {  	s1 =	srdreg.scid  }
0x8b: {  	s0 =	sand.u32 $0x1, s1  }
0x8c: {  	s17 =	sshll.u32 s0, $0xA;
	s2 =	sadd.s32 s3, s2  }
0x8d: {  	s2 =	sadd.s32 s2, s17  }
0x8e: {  	[smem:$0x3FC3] =	sst s2  }
0x8f: {  	_ = 	snop  }
0x90: {  	s2 =	sld [smem:$0x3FC9]  }
0x91: {  	s18 =	sld [smem:$0x3FD0];
	(tm) =	ssettm $0x1  }
0x92: {  	s4 =	sld [smem:$0x3FFB];
	_ =	sdelay $0x3  }
0x93: {  	_ =	strace s4  }
0x94: {  	s4 =	sld [smem:$0x3FFC];
	_ =	sdelay $0x3  }
0x95: {  	_ =	strace s4  }
0x96: {  	s4 =	sld [smem:$0x3FFD];
	_ =	sdelay $0x3  }
0x97: {  	_ =	strace s4  }
0x98: {  	_ =	strace $0x8FFFFFFF  }
0x99: {  	s19 =	sld [smem:$0x3FDB];
	_ =	sdelay $0x1  }
0x9a: {  	s5 =	simm.s32 $_scs_section_size  }
0x9b: {  	s6 =	simm.s32 $_size__tile_overlayer_lowered;
	s7 =	simm.s32 $_tile_overlayer_lowered  }
0x9c: {  	s22 =	simm.s32 $0x1BFF;
	s21 =	sshll.u32 s7, $0x1;
	s4 =	sadd.s32 s5, s19  }
0x9d: {  	s8 =	simm.s32 $0x0;
	s20 =	sshll.u32 s6, $0x1;
	s6 =	sadd.s32 s21, s4  }
0x9e: {  	[timem:s8], [sflag:s22] =	dma.local [hbm:s6], s20  }
0x9f: {  	_ =	swait.ge [sflag:s22], s20  }
0xa0: {  	s5 =	ssub.s32 $0x0, s20;
	[sflag:s22] =	ssyncset.done $0x0  }
0xa1: {  	[sflag:s22] =	ssyncadd.s32 s5;
	_ =	sdelay $0x1  }
0xa2: {  	s23 =	simm.s32 $0x1B8B  }
0xa3: {  	_ =	swait.ge [sflag:s23], $0x1  }
0xa4: {  	[sflag:s23] =	ssyncset.done $0x0  }
0xa5: {  	s25 =	simm.s32 $0x1B8E;
	s24 =	sld [smem:$0x3FFE];
	[sflag:s23] =	ssyncadd.s32 $0xFFFFFFFF  }
0xa6: {  	s26 =	simm.s32 $execute0_lowered;
	[smem:$0x3FD2] =	sst s25  }
0xa7: {  	s6 =	sshll.u32 s26, $0x1;
	_ =	strace $0x80000046;
	[dreg:$0x1] =	wrdreg $0xFFFFFFFF  }
0xa8: {  	s28 =	simm.s32 $_size_execute0_lowered;
	s4 =	sadd.s32 s4, s6;
	[dreg:$0x0] =	wrdreg $0x0  }
0xa9: {  	s6 =	sshll.u32 s28, $0x1;
	[dreg:$0x2] =	wrdreg s4  }
0xaa: {  	[dreg:$0x3] =	wrdreg s6  }
0xab: {  	[dreg:$0x4] =	wrdreg $0xC0  }
0xac: {  	_ =	task [dreg:s8], $0x5FFFF  }
0xad: {  	[dreg:$0x1] =	wrdreg $0xFFFFFFFF  }
0xae: {  	[dreg:$0x0] =	wrdreg $0x60  }
0xaf: {  	[dreg:$0x2] =	wrdreg s2  }
0xb0: {  	[dreg:$0x3] =	wrdreg s24  }
0xb1: {  	[dreg:$0x4] =	wrdreg s18  }
0xb2: {  	[dreg:$0x5] =	wrdreg $0xA4000  }
0xb3: {  	[dreg:$0x6] =	wrdreg $0x9  }
0xb4: {  	_ =	task.clear_ibuf [dreg:s8], $0x7FFFF;
	_ =	strace $0x90000046  }
0xb5: {  	s29 =	simm.s32 $0x9;
	_ =	strace $0x80000048  }
0xb6: {  	_ =	swait.ge [sflag:s29], $0x1  }
0xb7: {  	[sflag:s29] =	ssyncadd.s32 $0xFFFFFFFF  }
0xb8: {  	_ =	strace $0x90000048  }
0xb9: {  	_ =	sfence  }
0xba: {  	s30 =	sld [smem:$0x0];
	_ =	sdelay $0x2  }
0xbb: {  	s31 =	sshll.u32 s1, $0xD;
	s1 =	sshrl.u32 s1, $0x2  }
0xbc: {  	s3 =	sand.u32 $0x4000, s31;
	s1 =	sadd.s32 s1, s30  }
0xbd: {  	s0 =	sor.u32 s3, s0;
	s1 =	sshll.u32 s1, $0x11  }
0xbe: {  	s0 =	sor.u32 s1, s0  }
0xbf: {  	s0 =	sadd.s32 $0x8F2B, s0  }
0xc0: {  	[sflag:s0] =	ssyncadd.remote.s32 $0x1  }
0xc1: {  	_ =	sfence.sel $0xFFFF  }
0xc2: {  	[dreg:$0x0] =	wrdreg $0xFFFFFFFF;
	(pc) =	sbr.abs _section_cstart, $3  }
0xc3: {  	[dreg:$0x1] =	wrdreg $0xFFFFFFFF  }
0xc4: {  	_ =	task.clear_ibuf [dreg:s8], $0x2FFFF;
	_ =	strace $0x9FFFFFFF  }
0xc5: {  	(tm) =	ssettm $0x7FFFFFFF  }
tec
execute0_lowered:
.L_overlay_start_1:
0x0: {  	(tag) =	ssettag $0x1  }
0x1: {  	s0 =	rddreg [dreg:$0x0]  }
0x2: {  	s1 =	srdreg.scid;
	s2 =	rddreg [dreg:$0x1]  }
0x3: {  	s30 =	rddreg [dreg:$0x2];
	s24 =	stileid.u32  }
0x4: {  	s4 =	rddreg [dreg:$0x3];
	s31 =	simm.s32 $0x2C00;
	s1 =	sand.u32 $0x1, s1  }
0x5: {  	s8 =	smul.u32 $0x500, s24;
	s9 =	sor.u32 $0x20, s24;
	s11 =	sor.u32 $0x30, s24  }
0x6: {  	s14 =	sor.u32 $0x40, s24;
	s19 =	sor.u32 $0x50, s24;
	s23 =	smul.u32 $0x2710, s24  }
0x7: {  	s20 =	sor.u32 $0x60, s24;
	s22 =	sor.u32 $0x70, s24;
	s6 =	smul.u32 $0x27100, s1  }
0x8: {  	s5 =	sshll.u32 s1, $0x4;
	s1 =	ssub.s32 $0x2, s1;
	s15 =	smul.u32 $0x500, s11  }
0x9: {  	s17 =	smul.u32 $0x500, s14;
	s7 =	sor.u32 s24, s5;
	s5 =	simm.s32 $0x0  }
0xa: {  	s13 =	sshrl.u32 s1, $0x1;
	s29 =	smul.u32 $0x2710, s7;
	s16 =	sadd.s32 s6, s2  }
0xb: {  	[smem:$0x7FF] =	sst s5;
	s7 =	sor.u32 $0x10, s24;
	s18 =	sadd.s32 $0xAE00, s16  }
0xc: {  	s13 =	ssub.s32 s1, s13;
	s1 =	sadd.s32 s23, s6;
	s23 =	sadd.s32 s18, s8  }
0xd: {  	_ =	strace $0x80000047;
	s26 =	sadd.s32 s18, s15;
	[dreg:$0x8] =	wrdreg s23  }
0xe: {  	s16 =	sadd.s32 $0x59000, s16;
	s3 =	sadd.s32 s18, s17;
	[dreg:$0xb] =	wrdreg s26  }
0xf: {  	s10 =	smul.u32 $0x500, s7;
	s8 =	sadd.s32 s16, s8;
	[dreg:$0xc] =	wrdreg s3  }
0x10: {  	s21 =	smul.u32 $0x500, s19;
	s28 =	sadd.s32 $0x1E0, s29;
	[dreg:$0x10] =	wrdreg s8  }
0x11: {  	s6 =	smul.u32 $0x500, s20;
	s25 =	sadd.s32 s18, s10;
	[smem:$0x7FC] =	sst s28  }
0x12: {  	p1 =	sgt.u32 s24, $0xC;
	s26 =	sadd.s32 s18, s21;
	[dreg:$0x9] =	wrdreg s25  }
0x13: {  	s12 =	smul.u32 $0x500, s9;
	s3 =	sadd.s32 s18, s6;
	[dreg:$0xd] =	wrdreg s26  }
0x14: {  	p0 =	sgt.u32 s22, $0x7C;
	s6 =	sadd.s32 s16, s6;
	[dreg:$0xe] =	wrdreg s3  }
0x15: {  	s23 =	smul.u32 $0x500, s22;
	s25 =	sadd.s32 s18, s12;
	[dreg:$0x16] =	wrdreg s6  }
0x16: {  	s22 =	smul.u32 $0xA000, s22;
	s26 =	sadd.s32 s16, s12;
	[dreg:$0xa] =	wrdreg s25  }
0x17: {  	s3 =	sadd.s32 s16, s15;
	s12 =	sadd.s32 s16, s17;
	[dreg:$0x12] =	wrdreg s26  }
0x18: {  	s15 =	sadd.s32 s16, s21;
	s17 =	smul.u32 $0xA000, s7;
	[dreg:$0x13] =	wrdreg s3  }
0x19: {  	s18 =	sadd.s32 s18, s23;
	s25 =	sadd.s32 $0x320, s1;
	[dreg:$0x14] =	wrdreg s12  }
0x1a: {  	[dreg:$0x15] =	wrdreg s15;
	s26 =	smul.u32 $0xA000, s9;
	s15 =	smax.u32 s13, $0x1  }
0x1b: {  	[dreg:$0xf] =	wrdreg s18;
	s18 =	sadd.s32 s16, s10;
	s8 =	sshrl.u32 s25, $0x3  }
0x1c: {  	s16 =	sadd.s32 s16, s23;
	s23 =	sadd.s32 $0x1000, s2;
	s10 =	smul.u32 $0xA000, s24  }
0x1d: {  	[dreg:$0x1e] =	wrdreg s15;
	s2 =	sshrl.u32 s17, $0x2;
	s17 =	smul.u32 $0xA000, s14  }
0x1e: {  	s15 =	sadd.s32 $0x2D0, s1;
	s24 =	simm.s32 $0x300;
	[dreg:$0x11] =	wrdreg s18  }
0x1f: {  	s8 =	sadd.s32 s8, s30;
	[dreg:$0x17] =	wrdreg s16;
	s18 =	sshrl.u32 s29, $0x3  }
0x20: {  	s16 =	smul.u32 $0xA000, s11;
	s2 =	sadd.s32 s2, s4;
	[dreg:$0x5] =	wrdreg s8  }
0x21: {  	s11 =	sshrl.u32 s28, $0x3;
	s21 =	sadd.s32 s23, s18;
	[smem:$0x7EF] =	sst s2  }
0x22: {  	s12 =	sadd.s32 s30, s18;
	s14 =	sadd.s32 s30, s11;
	[dreg:$0x18] =	wrdreg s21  }
0x23: {  	s25 =	sadd.s32 $0xA, s18;
	s6 =	sadd.s32 $0x14, s18;
	[smem:$0x7F8] =	sst s14  }
0x24: {  	s18 =	smul.u32 $0xA000, s19;
	s3 =	sadd.s32 s23, s25;
	[dreg:$0x19] =	wrdreg s12  }
0x25: {  	s19 =	sshrl.u32 s26, $0x2;
	s7 =	sadd.s32 s30, s25;
	[dreg:$0x1a] =	wrdreg s3  }
0x26: {  	s11 =	simm.s32 $0x200;
	s9 =	sadd.s32 s23, s6;
	[dreg:$0x1b] =	wrdreg s7  }
0x27: {  	s6 =	sadd.s32 s30, s6;
	s21 =	smul.u32 $0xA000, s20;
	[dreg:$0x1c] =	wrdreg s9  }
0x28: {  	s20 =	sadd.s32 $0x140, s29;
	[dreg:$0x1d] =	wrdreg s6;
	s7 =	sshrl.u32 s10, $0x2  }
0x29: {  	s6 =	sshrl.u32 s16, $0x2;
	s9 =	sshrl.u32 s17, $0x2;
	s2 =	sshrl.u32 s18, $0x2  }
0x2a: {  	s3 =	sshrl.u32 s22, $0x2;
	s16 =	sadd.s32 $0x280, s1;
	s1 =	sadd.s32 $0x230, s1  }
0x2b: {  	s22 =	simm.s32 $0x50;
	[smem:$0x7FB] =	sst s20;
	s7 =	sadd.s32 s7, s4  }
0x2c: {  	s6 =	sadd.s32 s6, s4;
	s25 =	sadd.s32 s9, s4;
	[dreg:$0x1f] =	wrdreg s7  }
0x2d: {  	s26 =	sshrl.u32 s21, $0x2;
	s2 =	sadd.s32 s2, s4;
	[smem:$0x7F1] =	sst s6  }
0x2e: {  	s8 =	sadd.s32 s3, s4;
	s3 =	sadd.s32 $0x190, s29;
	[smem:$0x7F2] =	sst s25  }
0x2f: {  	s9 =	sshrl.u32 s20, $0x3;
	s1 =	sshrl.u32 s1, $0x3;
	[smem:$0x7F3] =	sst s2  }
0x30: {  	s7 =	sadd.s32 s19, s4;
	s6 =	sadd.s32 s26, s4;
	[smem:$0x7F5] =	sst s8  }
0x31: {  	[dreg:$0x7] =	wrdreg s3;
	s10 =	sshrl.u32 s3, $0x3;
	s2 =	sadd.s32 s30, s9  }
0x32: {  	s19 =	sadd.s32 s1, s30;
	s26 =	sadd.s32 $0x1E, s12;
	[smem:$0x7F0] =	sst s7  }
0x33: {  	s25 =	simm.s32 $0x80;
	s1 =	simm.s32 $0xB;
	[smem:$0x7F4] =	sst s6  }
0x34: {  	s8 =	simm.s32 $0x5;
	s9 =	simm.s32 $0xC;
	[smem:$0x7F6] =	sst s2  }
0x35: {  	s12 =	simm.s32 $0x6;
	s3 =	simm.s32 $0x0;
	[smem:$0x7FA] =	sst s26  }
0x36: {  	s13 =	sadd.s32 s30, s10;
	s6 =	sshrl.u32 s16, $0x3;
	[dreg:$0x6] =	wrdreg s19  }
0x37: {  	s2 =	sshrl.u32 s15, $0x3;
	[smem:$0x7F7] =	sst s13;
	s18 =	sadd.s32 s6, s30  }
0x38: {  	s26 =	simm.s32 $0x1;
	s17 =	sadd.s32 s2, s30;
	[smem:$0x7F9] =	sst s18  }
0x39: {  	v0 =	vimm.f32 $0.0e+00;
	v1 =	vimm.f32 $1.000000000e+00;
	s2 =	simm.s32 $0x380;
	s18 =	simm.s32 $0x9;
	[smem:$0x7FD] =	sst s17  }
.LBB2_1:
0x3a: {  	s13 =	rddreg [dreg:$0x18]  }
0x3b: {  	[tilespmem:s5], [sflag:$0x9] =	stream.linear.gather [hbm4b:s13+s5], $0x50, $0x38;
	[tilespmem:$0x1DC80] =	vst v63  }
0x3c: {  	s15 =	rddreg [dreg:$0x19]  }
0x3d: {  	[tilespmem:s11], [sflag:$0x9] =	stream.linear.gather [hbm4b:s15+s5], $0x50, $0x38;
	[tilespmem:$0x1DC80] =	vst v63  }
0x3e: {  	s16 =	rddreg [dreg:$0x1a]  }
0x3f: {  	[tilespmem:s25], [sflag:$0xA] =	stream.linear.gather [hbm4b:s16+s5], $0x50, $0x38;
	[tilespmem:$0x1DC80] =	vst v63  }
0x40: {  	s17 =	rddreg [dreg:$0x1b];
	s7 =	simm.s32 $0x280  }
0x41: {  	[tilespmem:s7], [sflag:$0xA] =	stream.linear.gather [hbm4b:s17+s5], $0x50, $0x38;
	[tilespmem:$0x1DC80] =	vst v63  }
0x42: {  	s19 =	rddreg [dreg:$0x1c];
	s6 =	simm.s32 $0x100  }
0x43: {  	[tilespmem:s6], [sflag:$0xB] =	stream.linear.gather [hbm4b:s19+s5], $0x50, $0x38;
	[tilespmem:$0x1DC80] =	vst v63  }
0x44: {  	s21 =	rddreg [dreg:$0x1d]  }
0x45: {  	[tilespmem:s24], [sflag:$0xB] =	stream.linear.gather [hbm4b:s21+s5], $0x50, $0x38;
	[tilespmem:$0x1DC80] =	vst v63  }
0x46: {  	s24 =	sand.u32 $0xFE00, s5  }
0x47: {  	[smem:$0x7EE] =	sst s3;
	s14 =	sand.u32 $0x70, s5;
	s15 =	sshrl.u32 s24, $0x2  }
0x48: {  	s13 =	simm.s32 $0x40;
	s15 =	sor.u32 s14, s15;
	s14 =	simm.s32 $0x0  }
.LBB2_2:
0x49: {  	p2 =	sne.s32 s13, $0x9FC0  }
0x4a: {  	[tilespmem:s15+$0x400] =	vst v0;
	s14 =	sadd.s32 $0x10, s14;
	s15 =	smov.u32 s13;
	s13 =	sadd.s32 $0x40, s13  }
.Ltmp0:
0x4b: {  	(pc) =	sbr.rel @p2 .LBB2_2-.Ltmp0, $4  }
0x4c: {  	_ = 	snop  }
0x4d: {  	s15 =	sand.u32 $0xFE00, s15  }
0x4e: {  	s19 =	sand.u32 $0x70, s14;
	s15 =	sshrl.u32 s15, $0x2  }
0x4f: {  	s15 =	sor.u32 s19, s15  }
0x50: {  	s13 =	rddreg [dreg:$0x1f]  }
0x51: {  	[tilespmem:s15+$0x400] =	vst v0;
	s17 =	simm.s32 $0x400;
	s24 =	sld [smem:$0x7EF]  }
0x52: {  	[spmem:s13] =	stream.linear.scatter [tilespmem:s17], [sflag:$0x1], $0x2800, $0x38;
	[tilespmem:$0x1DC80] =	vst v63  }
0x53: {  	s3 =	sld [smem:$0x7F0]  }
0x54: {  	[spmem:s24] =	stream.linear.scatter [tilespmem:s17], [sflag:$0x1], $0x2800, $0x38;
	[tilespmem:$0x1DC80] =	vst v63  }
0x55: {  	s10 =	sld [smem:$0x7F1]  }
0x56: {  	[spmem:s3] =	stream.linear.scatter [tilespmem:s17], [sflag:$0x1], $0x2800, $0x38;
	[tilespmem:$0x1DC80] =	vst v63  }
0x57: {  	s14 =	sld [smem:$0x7F2]  }
0x58: {  	[spmem:s10] =	stream.linear.scatter [tilespmem:s17], [sflag:$0x1], $0x2800, $0x38;
	[tilespmem:$0x1DC80] =	vst v63  }
0x59: {  	s15 =	sld [smem:$0x7F3]  }
0x5a: {  	[spmem:s14] =	stream.linear.scatter [tilespmem:s17], [sflag:$0x1], $0x2800, $0x38;
	[tilespmem:$0x1DC80] =	vst v63  }
0x5b: {  	s16 =	sld [smem:$0x7F4]  }
0x5c: {  	[spmem:s15] =	stream.linear.scatter [tilespmem:s17], [sflag:$0x1], $0x2800, $0x38;
	[tilespmem:$0x1DC80] =	vst v63  }
0x5d: {  	s14 =	sld [smem:$0x7F5]  }
0x5e: {  	[spmem:s16] =	stream.linear.scatter [tilespmem:s17], [sflag:$0x1], $0x2800, $0x38;
	[tilespmem:$0x1DC80] =	vst v63  }
0x5f: {  	s13 =	simm.s32 @!p0 $0x400  }
0x60: {  	[spmem:s14] =	stream.linear.scatter @!p0 [tilespmem:s13], [sflag:$0x1], $0x2800, $0x38;
	[tilespmem:$0x1DC80] =	vst v63  }
0x61: {  	_ =	swait.ge [sflag:s26], $0x2800  }
0x62: {  	[sflag:s26] =	ssyncset.done $0x0  }
0x63: {  	[sflag:s26] =	ssyncadd.s32 $0xFFFFD800  }
0x64: {  	_ =	swait.ge [sflag:s26], $0x2800  }
0x65: {  	[sflag:s26] =	ssyncset.done $0x0  }
0x66: {  	[sflag:s26] =	ssyncadd.s32 $0xFFFFD800  }
0x67: {  	_ =	swait.ge [sflag:s26], $0x2800  }
0x68: {  	[sflag:s26] =	ssyncset.done $0x0  }
0x69: {  	[sflag:s26] =	ssyncadd.s32 $0xFFFFD800  }
0x6a: {  	_ =	swait.ge [sflag:s26], $0x2800  }
0x6b: {  	[sflag:s26] =	ssyncset.done $0x0  }
0x6c: {  	[sflag:s26] =	ssyncadd.s32 $0xFFFFD800  }
0x6d: {  	_ =	swait.ge [sflag:s26], $0x2800  }
0x6e: {  	[sflag:s26] =	ssyncset.done $0x0  }
0x6f: {  	[sflag:s26] =	ssyncadd.s32 $0xFFFFD800  }
0x70: {  	_ =	swait.ge [sflag:s26], $0x2800  }
0x71: {  	[sflag:s26] =	ssyncset.done $0x0  }
0x72: {  	[sflag:s26] =	ssyncadd.s32 $0xFFFFD800  }
0x73: {  	_ =	swait.ge [sflag:s26], $0x2800  }
0x74: {  	[sflag:s26] =	ssyncset.done $0x0  }
0x75: {  	s13 =	simm.s32 @!p1 $0x1;
	[sflag:s26] =	ssyncadd.s32 $0xFFFFD800  }
0x76: {  	_ =	swait.ge @!p1 [sflag:s13], $0x2800  }
0x77: {  	[sflag:s13] =	ssyncset.done @!p1 $0x0  }
0x78: {  	[sflag:s13] =	ssyncadd.s32 @!p1 $0xFFFFD800  }
0x79: {  	[bflag:$0x0] =	sbarrier.arrive $0xFFFF  }
0x7a: {  	_ =	swait.ge [sflag:s18], $0x50  }
0x7b: {  	[sflag:s18] =	ssyncset.done $0x0  }
0x7c: {  	[sflag:s18] =	ssyncadd.s32 $0xFFFFFFB0  }
0x7d: {  	_ =	swait.ge [sflag:s18], $0x50  }
0x7e: {  	[sflag:s18] =	ssyncset.done $0x0  }
0x7f: {  	s19 =	simm.s32 $0xA;
	s13 =	simm.s32 $0x0;
	[sflag:s18] =	ssyncadd.s32 $0xFFFFFFB0  }
0x80: {  	[tilespmem:s17], [sflag:$0x1] =	stream.indirect.gather [hbm4b:s0+s22], $0x80, s13, s22, $0xb8;
	[tilespmem:$0x1DC80] =	vst v63  }
0x81: {  	_ =	swait.ge [sflag:s19], $0x50  }
0x82: {  	[sflag:s19] =	ssyncset.done $0x0  }
0x83: {  	[sflag:s19] =	ssyncadd.s32 $0xFFFFFFB0  }
0x84: {  	p2 =	por $0x1, $0x1;
	_ =	swait.ge [sflag:s19], $0x50  }
0x85: {  	s14 =	simm.s32 @!p2 $0xF0;
	[sflag:s19] =	ssyncset.done $0x0  }
0x86: {  	s15 =	simm.s32 @!p2 $0x8;
	s14 =	simm.s32 @p2 $0xF0;
	[sflag:s19] =	ssyncadd.s32 $0xFFFFFFB0  }
0x87: {  	[tilespmem:s31], [sflag:$0x2] =	stream.indirect.gather [hbm4b:s0+s22], $0x80, s25, s22, $0xb8;
	[tilespmem:$0x1DC80] =	vst v63  }
0x88: {  	s14 =	sadd.s32 s29, s14;
	_ =	swait.ge @!p2 [sflag:s15], $0x2800  }
0x89: {  	s14 =	sshrl.u32 s14, $0x3;
	[sflag:s15] =	ssyncset.done @!p2 $0x0  }
0x8a: {  	s10 =	simm.s32 $0x180;
	s19 =	sadd.s32 s23, s14;
	[sflag:s15] =	ssyncadd.s32 @!p2 $0xFFFFD800  }
0x8b: {  	[tilespmem:s10], [sflag:$0xC] =	stream.linear.gather [hbm4b:s19+s5], $0x50, $0x38;
	[tilespmem:$0x1DC80] =	vst v63  }
0x8c: {  	s14 =	sadd.s32 s30, s14  }
0x8d: {  	[tilespmem:s2], [sflag:$0xC] =	stream.linear.gather [hbm4b:s14+s5], $0x50, $0x38;
	[tilespmem:$0x1DC80] =	vst v63  }
0x8e: {  	_ =	swait.ge [sflag:s1], $0x50  }
0x8f: {  	[sflag:s1] =	ssyncset.done $0x0  }
0x90: {  	[sflag:s1] =	ssyncadd.s32 $0xFFFFFFB0  }
0x91: {  	_ =	swait.ge [sflag:s1], $0x50  }
0x92: {  	[sflag:s1] =	ssyncset.done $0x0  }
0x93: {  	s3 =	simm.s32 $0x5400;
	[sflag:s1] =	ssyncadd.s32 $0xFFFFFFB0  }
0x94: {  	[tilespmem:s3], [sflag:$0x3] =	stream.indirect.gather [hbm4b:s0+s22], $0x80, s6, s22, $0xb8;
	[tilespmem:$0x1DC80] =	vst v63  }
0x95: {  	_ =	swait.ge [sflag:s26], $0x2800  }
0x96: {  	[sflag:s26] =	ssyncset.done $0x0  }
0x97: {  	s13 =	simm.s32 @p2 $0x0;
	[sflag:s26] =	ssyncadd.s32 $0xFFFFD800  }
0x98: {  	[spmem:s4] =	stream.indirect.scatter.add.f32 [tilespmem:s17], [sflag:$0x5], $0x80, s11, s22, $0xb8;
	[tilespmem:$0x1DC80] =	vst v63  }
0x99: {  	s21 =	sadd.s32 s13, s20;
	_ =	swait.ge [sflag:s8], $0x2800  }
0x9a: {  	s14 =	sshrl.u32 s21, $0x3;
	[sflag:s8] =	ssyncset.done $0x0  }
0x9b: {  	s24 =	sadd.s32 s23, s14;
	[sflag:s8] =	ssyncadd.s32 $0xFFFFD800  }
0x9c: {  	[tilespmem:s5], [sflag:$0x9] =	stream.linear.gather [hbm4b:s24+s5], $0x50, $0x38;
	[tilespmem:$0x1DC80] =	vst v63  }
0x9d: {  	s14 =	sadd.s32 s30, s14  }
0x9e: {  	[tilespmem:s11], [sflag:$0x9] =	stream.linear.gather [hbm4b:s14+s5], $0x50, $0x38;
	[tilespmem:$0x1DC80] =	vst v63  }
0x9f: {  	_ =	swait.ge [sflag:s9], $0x50  }
0xa0: {  	[sflag:s9] =	ssyncset.done $0x0  }
0xa1: {  	[sflag:s9] =	ssyncadd.s32 $0xFFFFFFB0  }
0xa2: {  	_ =	swait.ge [sflag:s9], $0x50  }
0xa3: {  	[sflag:s9] =	ssyncset.done $0x0  }
0xa4: {  	s16 =	simm.s32 $0x2;
	s25 =	simm.s32 $0x7C00;
	[sflag:s9] =	ssyncadd.s32 $0xFFFFFFB0  }
0xa5: {  	[tilespmem:s25], [sflag:$0x4] =	stream.indirect.gather [hbm4b:s0+s22], $0x80, s10, s22, $0xb8;
	[tilespmem:$0x1DC80] =	vst v63  }
0xa6: {  	_ =	swait.ge [sflag:s16], $0x2800  }
0xa7: {  	[sflag:s16] =	ssyncset.done $0x0  }
0xa8: {  	[sflag:s16] =	ssyncadd.s32 $0xFFFFD800  }
0xa9: {  	[spmem:s4] =	stream.indirect.scatter.add.f32 [tilespmem:s31], [sflag:$0x6], $0x80, s7, s22, $0xb8;
	[tilespmem:$0x1DC80] =	vst v63  }
0xaa: {  	_ =	swait.ge [sflag:s12], $0x2800  }
0xab: {  	p2 =	por $0x0, $0x0;
	s1 =	rddreg [dreg:$0x7]  }
0xac: {  	s15 =	simm.s32 @!p2 $0x80;
	s14 =	sadd.s32 @!p2 s13, s1  }
0xad: {  	s7 =	smov.u32 s20;
	[sflag:s12] =	ssyncset.done $0x0;
	s14 =	sshrl.u32 @!p2 s14, $0x3  }
0xae: {  	s20 =	simm.s32 @!p2 $0x0;
	[sflag:s12] =	ssyncadd.s32 $0xFFFFD800;
	s19 =	sadd.s32 @!p2 s23, s14  }
0xaf: {  	[tilespmem:s15], [sflag:$0xA] =	stream.linear.gather @!p2 [hbm4b:s19+s20], $0x50, $0x38;
	[tilespmem:$0x1DC80] =	vst v63  }
0xb0: {  	s14 =	sadd.s32 @!p2 s30, s14;
	s19 =	simm.s32 @!p2 $0x280  }
0xb1: {  	[tilespmem:s19], [sflag:$0xA] =	stream.linear.gather @!p2 [hbm4b:s14+s20], $0x50, $0x38;
	[tilespmem:$0x1DC80] =	vst v63  }
0xb2: {  	_ =	swait.ge [sflag:s18], $0x50  }
0xb3: {  	[sflag:s18] =	ssyncset.done $0x0  }
0xb4: {  	[sflag:s18] =	ssyncadd.s32 $0xFFFFFFB0  }
0xb5: {  	_ =	swait.ge [sflag:s18], $0x50  }
0xb6: {  	[sflag:s18] =	ssyncset.done $0x0  }
0xb7: {  	s31 =	simm.s32 $0x3;
	[sflag:s18] =	ssyncadd.s32 $0xFFFFFFB0  }
0xb8: {  	[tilespmem:s17], [sflag:$0x1] =	stream.indirect.gather [hbm4b:s0+s22], $0x80, s5, s22, $0xb8;
	[tilespmem:$0x1DC80] =	vst v63  }
0xb9: {  	_ =	swait.ge [sflag:s31], $0x2800  }
0xba: {  	s26 =	simm.s32 $0x300;
	[sflag:s31] =	ssyncset.done $0x0  }
0xbb: {  	s11 =	smov.u32 s0;
	s0 =	simm.s32 $0x7;
	[sflag:s31] =	ssyncadd.s32 $0xFFFFD800  }
0xbc: {  	[spmem:s4] =	stream.indirect.scatter.add.f32 [tilespmem:s3], [sflag:$0x7], $0x80, s26, s22, $0xb8;
	[tilespmem:$0x1DC80] =	vst v63  }
0xbd: {  	s13 =	sadd.s32 @!p2 s13, s28;
	_ =	swait.ge [sflag:s0], $0x2800  }
0xbe: {  	p4 =	por $0x0, $0x0;
	s13 =	sshrl.u32 @!p2 s13, $0x3;
	[sflag:s0] =	ssyncset.done $0x0  }
0xbf: {  	s14 =	sadd.s32 @!p2 s23, s13;
	s19 =	simm.s32 @!p2 $0x100;
	[sflag:s0] =	ssyncadd.s32 $0xFFFFD800  }
0xc0: {  	[tilespmem:s19], [sflag:$0xB] =	stream.linear.gather @!p2 [hbm4b:s14+s20], $0x50, $0x38;
	[tilespmem:$0x1DC80] =	vst v63  }
0xc1: {  	s21 =	simm.s32 @!p2 $0xA;
	s13 =	sadd.s32 @!p2 s30, s13;
	s14 =	simm.s32 @!p2 $0x300  }
0xc2: {  	[tilespmem:s14], [sflag:$0xB] =	stream.linear.gather @!p2 [hbm4b:s13+s20], $0x50, $0x38;
	[tilespmem:$0x1DC80] =	vst v63  }
0xc3: {  	s2 =	simm.s32 $0x4;
	s6 =	simm.s32 $0x1;
	_ =	swait.ge @!p2 [sflag:s21], $0x50  }
0xc4: {  	s8 =	simm.s32 $0xB;
	s10 =	smov.u32 s28;
	[sflag:s21] =	ssyncset.done @!p2 $0x0  }
0xc5: {  	s28 =	simm.s32 $0x0;
	s12 =	simm.s32 $0x5;
	[sflag:s21] =	ssyncadd.s32 @!p2 $0xFFFFFFB0  }
0xc6: {  	s5 =	simm.s32 $0x6;
	s19 =	simm.s32 @!p4 $0x230;
	_ =	swait.ge @!p2 [sflag:s21], $0x50  }
0xc7: {  	s13 =	simm.s32 $0x140;
	s14 =	simm.s32 $0x280;
	[sflag:s21] =	ssyncset.done @!p2 $0x0  }
0xc8: {  	s20 =	simm.s32 @!p2 $0x2C00;
	[sflag:s21] =	ssyncadd.s32 @!p2 $0xFFFFFFB0;
	s21 =	simm.s32 @!p2 $0x50  }
.LBB2_4:
0xc9: {  	[tilespmem:s20], [sflag:$0x2] =	stream.indirect.gather @!p2 [hbm4b:s11+s21], $0x80, s15, s21, $0xb8;
	[tilespmem:$0x1DC80] =	vst v63  }
0xca: {  	_ =	swait.ge [sflag:s2], $0x2800  }
0xcb: {  	s19 =	simm.s32 @p4 $0xF0;
	s20 =	simm.s32 @!p4 $0x8;
	[sflag:s2] =	ssyncset.done $0x0  }
0xcc: {  	s17 =	simm.s32 $0x380;
	s24 =	simm.s32 $0x7C00;
	[sflag:s2] =	ssyncadd.s32 $0xFFFFD800  }
0xcd: {  	[spmem:s4] =	stream.indirect.scatter.add.f32 [tilespmem:s24], [sflag:$0x8], $0x80, s17, s22, $0xb8;
	[tilespmem:$0x1DC80] =	vst v63  }
0xce: {  	s19 =	sadd.s32 s29, s19;
	_ =	swait.ge @!p4 [sflag:s20], $0x2800  }
0xcf: {  	s19 =	sshrl.u32 s19, $0x3;
	[sflag:s20] =	ssyncset.done @!p4 $0x0  }
0xd0: {  	s1 =	simm.s32 $0x180;
	s3 =	sadd.s32 s23, s19;
	[sflag:s20] =	ssyncadd.s32 @!p4 $0xFFFFD800  }
0xd1: {  	[tilespmem:s1], [sflag:$0xC] =	stream.linear.gather [hbm4b:s3+s28], $0x50, $0x38;
	[tilespmem:$0x1DC80] =	vst v63  }
0xd2: {  	s19 =	sadd.s32 s30, s19  }
0xd3: {  	[tilespmem:s17], [sflag:$0xC] =	stream.linear.gather [hbm4b:s19+s28], $0x50, $0x38;
	[tilespmem:$0x1DC80] =	vst v63  }
0xd4: {  	_ =	swait.ge [sflag:s8], $0x50  }
0xd5: {  	[sflag:s8] =	ssyncset.done $0x0  }
0xd6: {  	[sflag:s8] =	ssyncadd.s32 $0xFFFFFFB0  }
0xd7: {  	_ =	swait.ge [sflag:s8], $0x50  }
0xd8: {  	[sflag:s8] =	ssyncset.done $0x0  }
0xd9: {  	s21 =	simm.s32 $0x100;
	s3 =	simm.s32 $0x5400;
	[sflag:s8] =	ssyncadd.s32 $0xFFFFFFB0  }
0xda: {  	[tilespmem:s3], [sflag:$0x3] =	stream.indirect.gather [hbm4b:s11+s22], $0x80, s21, s22, $0xb8;
	[tilespmem:$0x1DC80] =	vst v63  }
0xdb: {  	_ =	swait.ge [sflag:s6], $0x2800  }
0xdc: {  	s26 =	simm.s32 $0x400;
	s20 =	smov.u32 s13;
	[sflag:s6] =	ssyncset.done $0x0  }
0xdd: {  	s20 =	simm.s32 @p4 $0x0;
	s17 =	simm.s32 $0x200;
	[sflag:s6] =	ssyncadd.s32 $0xFFFFD800  }
0xde: {  	[spmem:s4] =	stream.indirect.scatter.add.f32 [tilespmem:s26], [sflag:$0x5], $0x80, s17, s22, $0xb8;
	[tilespmem:$0x1DC80] =	vst v63  }
0xdf: {  	s25 =	sadd.s32 s20, s7;
	_ =	swait.ge [sflag:s12], $0x2800  }
0xe0: {  	s21 =	sshrl.u32 s25, $0x3;
	[sflag:s12] =	ssyncset.done $0x0  }
0xe1: {  	s25 =	smov.u32 s29;
	s29 =	sadd.s32 s23, s21;
	[sflag:s12] =	ssyncadd.s32 $0xFFFFD800  }
0xe2: {  	[tilespmem:s28], [sflag:$0x9] =	stream.linear.gather [hbm4b:s29+s28], $0x50, $0x38;
	[tilespmem:$0x1DC80] =	vst v63  }
0xe3: {  	s21 =	sadd.s32 s30, s21  }
0xe4: {  	[tilespmem:s17], [sflag:$0x9] =	stream.linear.gather [hbm4b:s21+s28], $0x50, $0x38;
	[tilespmem:$0x1DC80] =	vst v63  }
0xe5: {  	_ =	swait.ge [sflag:s9], $0x50  }
0xe6: {  	[sflag:s9] =	ssyncset.done $0x0  }
0xe7: {  	[sflag:s9] =	ssyncadd.s32 $0xFFFFFFB0  }
0xe8: {  	_ =	swait.ge [sflag:s9], $0x50  }
0xe9: {  	[sflag:s9] =	ssyncset.done $0x0  }
0xea: {  	[sflag:s9] =	ssyncadd.s32 $0xFFFFFFB0  }
0xeb: {  	[tilespmem:s24], [sflag:$0x4] =	stream.indirect.gather [hbm4b:s11+s22], $0x80, s1, s22, $0xb8;
	[tilespmem:$0x1DC80] =	vst v63  }
0xec: {  	_ =	swait.ge [sflag:s16], $0x2800  }
0xed: {  	[sflag:s16] =	ssyncset.done $0x0  }
0xee: {  	s21 =	simm.s32 $0x280;
	s24 =	simm.s32 $0x2C00;
	[sflag:s16] =	ssyncadd.s32 $0xFFFFD800  }
0xef: {  	[spmem:s4] =	stream.indirect.scatter.add.f32 [tilespmem:s24], [sflag:$0x6], $0x80, s21, s22, $0xb8;
	[tilespmem:$0x1DC80] =	vst v63  }
0xf0: {  	_ =	swait.ge [sflag:s5], $0x2800  }
0xf1: {  	s15 =	smov.u32 s14;
	p2 =	seq.s32 s13, $0x2580;
	s1 =	rddreg [dreg:$0x7]  }
0xf2: {  	s13 =	smov.u32 s15;
	s19 =	sadd.s32 @!p2 s20, s10;
	s15 =	sadd.s32 @!p2 s20, s1  }
0xf3: {  	s29 =	simm.s32 @!p2 $0x0;
	[sflag:s5] =	ssyncset.done $0x0;
	s20 =	sshrl.u32 @!p2 s15, $0x3  }
0xf4: {  	[sflag:s5] =	ssyncadd.s32 $0xFFFFD800;
	s15 =	simm.s32 @!p2 $0x80;
	s21 =	sadd.s32 @!p2 s23, s20  }
0xf5: {  	[tilespmem:s15], [sflag:$0xA] =	stream.linear.gather @!p2 [hbm4b:s21+s29], $0x50, $0x38;
	[tilespmem:$0x1DC80] =	vst v63  }
0xf6: {  	s20 =	sadd.s32 @!p2 s30, s20;
	s21 =	simm.s32 @!p2 $0x280  }
0xf7: {  	[tilespmem:s21], [sflag:$0xA] =	stream.linear.gather @!p2 [hbm4b:s20+s29], $0x50, $0x38;
	[tilespmem:$0x1DC80] =	vst v63  }
0xf8: {  	_ =	swait.ge [sflag:s18], $0x50  }
0xf9: {  	[sflag:s18] =	ssyncset.done $0x0  }
0xfa: {  	[sflag:s18] =	ssyncadd.s32 $0xFFFFFFB0  }
0xfb: {  	_ =	swait.ge [sflag:s18], $0x50  }
0xfc: {  	[sflag:s18] =	ssyncset.done $0x0  }
0xfd: {  	[sflag:s18] =	ssyncadd.s32 $0xFFFFFFB0  }
0xfe: {  	[tilespmem:s26], [sflag:$0x1] =	stream.indirect.gather [hbm4b:s11+s22], $0x80, s28, s22, $0xb8;
	[tilespmem:$0x1DC80] =	vst v63  }
0xff: {  	_ =	swait.ge [sflag:s31], $0x2800  }
0x100: {  	[sflag:s31] =	ssyncset.done $0x0  }
0x101: {  	s26 =	simm.s32 $0x300;
	[sflag:s31] =	ssyncadd.s32 $0xFFFFD800  }
0x102: {  	[spmem:s4] =	stream.indirect.scatter.add.f32 [tilespmem:s3], [sflag:$0x7], $0x80, s26, s22, $0xb8;
	[tilespmem:$0x1DC80] =	vst v63  }
0x103: {  	_ =	swait.ge [sflag:s0], $0x2800  }
0x104: {  	s14 =	sadd.s32 $0x140, s14;
	s19 =	sshrl.u32 @!p2 s19, $0x3;
	[sflag:s0] =	ssyncset.done $0x0  }
0x105: {  	s20 =	sadd.s32 @!p2 s23, s19;
	s21 =	simm.s32 @!p2 $0x100;
	[sflag:s0] =	ssyncadd.s32 $0xFFFFD800  }
0x106: {  	[tilespmem:s21], [sflag:$0xB] =	stream.linear.gather @!p2 [hbm4b:s20+s29], $0x50, $0x38;
	[tilespmem:$0x1DC80] =	vst v63  }
0x107: {  	s19 =	sadd.s32 @!p2 s30, s19;
	s20 =	simm.s32 @!p2 $0x300;
	s21 =	simm.s32 @!p2 $0xA  }
0x108: {  	[tilespmem:s20], [sflag:$0xB] =	stream.linear.gather @!p2 [hbm4b:s19+s29], $0x50, $0x38;
	[tilespmem:$0x1DC80] =	vst v63  }
0x109: {  	p3 =	sne.s32 s14, $0x26C0;
	_ =	swait.ge @!p2 [sflag:s21], $0x50  }
.Ltmp1:
0x10a: {  	[sflag:s21] =	ssyncset.done @!p2 $0x0;
	(pc) =	sbr.rel @p3 .LBB2_4-.Ltmp1, $4  }
0x10b: {  	[sflag:s21] =	ssyncadd.s32 @!p2 $0xFFFFFFB0  }
0x10c: {  	p4 =	seq.s32 s13, $0x0;
	_ =	swait.ge @!p2 [sflag:s21], $0x50  }
0x10d: {  	s29 =	smov.u32 s25;
	s20 =	simm.s32 @!p2 $0x2C00;
	[sflag:s21] =	ssyncset.done @!p2 $0x0  }
0x10e: {  	s19 =	sadd.s32 @!p4 $0xF0, s13;
	[sflag:s21] =	ssyncadd.s32 @!p2 $0xFFFFFFB0;
	s21 =	simm.s32 @!p2 $0x50  }
0x10f: {  	[tilespmem:s20], [sflag:$0x2] =	stream.indirect.gather @!p2 [hbm4b:s11+s21], $0x80, s15, s21, $0xb8;
	[tilespmem:$0x1DC80] =	vst v63  }
0x110: {  	_ =	swait.ge [sflag:s2], $0x2800  }
0x111: {  	s19 =	simm.s32 @p4 $0xF0;
	s14 =	simm.s32 @!p4 $0x8;
	[sflag:s2] =	ssyncset.done $0x0  }
0x112: {  	s26 =	simm.s32 $0x380;
	s21 =	simm.s32 $0x7C00;
	[sflag:s2] =	ssyncadd.s32 $0xFFFFD800  }
0x113: {  	[spmem:s4] =	stream.indirect.scatter.add.f32 [tilespmem:s21], [sflag:$0x8], $0x80, s26, s22, $0xb8;
	[tilespmem:$0x1DC80] =	vst v63  }
0x114: {  	s1 =	sadd.s32 s29, s19;
	_ =	swait.ge @!p4 [sflag:s14], $0x2800  }
0x115: {  	s15 =	sshrl.u32 s1, $0x3;
	[sflag:s14] =	ssyncset.done @!p4 $0x0  }
0x116: {  	s1 =	simm.s32 $0x180;
	s3 =	sadd.s32 s23, s15;
	[sflag:s14] =	ssyncadd.s32 @!p4 $0xFFFFD800  }
0x117: {  	[tilespmem:s1], [sflag:$0xC] =	stream.linear.gather [hbm4b:s3+s28], $0x50, $0x38;
	[tilespmem:$0x1DC80] =	vst v63  }
0x118: {  	s15 =	sadd.s32 s30, s15  }
0x119: {  	[tilespmem:s26], [sflag:$0xC] =	stream.linear.gather [hbm4b:s15+s28], $0x50, $0x38;
	[tilespmem:$0x1DC80] =	vst v63  }
0x11a: {  	_ =	swait.ge [sflag:s8], $0x50  }
0x11b: {  	[sflag:s8] =	ssyncset.done $0x0  }
0x11c: {  	[sflag:s8] =	ssyncadd.s32 $0xFFFFFFB0  }
0x11d: {  	_ =	swait.ge [sflag:s8], $0x50  }
0x11e: {  	[sflag:s8] =	ssyncset.done $0x0  }
0x11f: {  	s17 =	simm.s32 $0x100;
	s3 =	simm.s32 $0x5400;
	[sflag:s8] =	ssyncadd.s32 $0xFFFFFFB0  }
0x120: {  	[tilespmem:s3], [sflag:$0x3] =	stream.indirect.gather [hbm4b:s11+s22], $0x80, s17, s22, $0xb8;
	[tilespmem:$0x1DC80] =	vst v63  }
0x121: {  	_ =	swait.ge [sflag:s6], $0x2800  }
0x122: {  	p2 =	seq.s32 s13, $0x2580;
	s13 =	simm.s32 @p4 $0x0;
	[sflag:s6] =	ssyncset.done $0x0  }
0x123: {  	s29 =	simm.s32 $0x200;
	s17 =	simm.s32 $0x400;
	[sflag:s6] =	ssyncadd.s32 $0xFFFFD800  }
0x124: {  	[spmem:s4] =	stream.indirect.scatter.add.f32 [tilespmem:s17], [sflag:$0x5], $0x80, s29, s22, $0xb8;
	[tilespmem:$0x1DC80] =	vst v63  }
0x125: {  	s19 =	sadd.s32 s13, s7;
	_ =	swait.ge [sflag:s12], $0x2800  }
0x126: {  	s14 =	sshrl.u32 s19, $0x3;
	[sflag:s12] =	ssyncset.done $0x0  }
0x127: {  	s20 =	sadd.s32 s23, s14;
	[sflag:s12] =	ssyncadd.s32 $0xFFFFD800  }
0x128: {  	[tilespmem:s28], [sflag:$0x9] =	stream.linear.gather [hbm4b:s20+s28], $0x50, $0x38;
	[tilespmem:$0x1DC80] =	vst v63  }
0x129: {  	s14 =	sadd.s32 s30, s14  }
0x12a: {  	[tilespmem:s29], [sflag:$0x9] =	stream.linear.gather [hbm4b:s14+s28], $0x50, $0x38;
	[tilespmem:$0x1DC80] =	vst v63  }
0x12b: {  	_ =	swait.ge [sflag:s9], $0x50  }
0x12c: {  	[sflag:s9] =	ssyncset.done $0x0  }
0x12d: {  	[sflag:s9] =	ssyncadd.s32 $0xFFFFFFB0  }
0x12e: {  	_ =	swait.ge [sflag:s9], $0x50  }
0x12f: {  	[sflag:s9] =	ssyncset.done $0x0  }
0x130: {  	[sflag:s9] =	ssyncadd.s32 $0xFFFFFFB0  }
0x131: {  	[tilespmem:s21], [sflag:$0x4] =	stream.indirect.gather [hbm4b:s11+s22], $0x80, s1, s22, $0xb8;
	[tilespmem:$0x1DC80] =	vst v63  }
0x132: {  	_ =	swait.ge [sflag:s16], $0x2800  }
0x133: {  	[sflag:s16] =	ssyncset.done $0x0  }
0x134: {  	s24 =	simm.s32 $0x2C00;
	s7 =	simm.s32 $0x280;
	[sflag:s16] =	ssyncadd.s32 $0xFFFFD800  }
0x135: {  	[spmem:s4] =	stream.indirect.scatter.add.f32 [tilespmem:s24], [sflag:$0x6], $0x80, s7, s22, $0xb8;
	[tilespmem:$0x1DC80] =	vst v63  }
0x136: {  	_ =	swait.ge [sflag:s5], $0x2800  }
0x137: {  	s1 =	rddreg [dreg:$0x7]  }
0x138: {  	s14 =	sadd.s32 @!p2 s13, s1  }
0x139: {  	s15 =	simm.s32 @!p2 $0x80;
	[sflag:s5] =	ssyncset.done $0x0;
	s14 =	sshrl.u32 @!p2 s14, $0x3  }
0x13a: {  	s20 =	simm.s32 @!p2 $0x0;
	[sflag:s5] =	ssyncadd.s32 $0xFFFFD800;
	s19 =	sadd.s32 @!p2 s23, s14  }
0x13b: {  	[tilespmem:s15], [sflag:$0xA] =	stream.linear.gather @!p2 [hbm4b:s19+s20], $0x50, $0x38;
	[tilespmem:$0x1DC80] =	vst v63  }
0x13c: {  	s14 =	sadd.s32 @!p2 s30, s14;
	s19 =	simm.s32 @!p2 $0x280  }
0x13d: {  	[tilespmem:s19], [sflag:$0xA] =	stream.linear.gather @!p2 [hbm4b:s14+s20], $0x50, $0x38;
	[tilespmem:$0x1DC80] =	vst v63  }
0x13e: {  	_ =	swait.ge [sflag:s18], $0x50  }
0x13f: {  	[sflag:s18] =	ssyncset.done $0x0  }
0x140: {  	[sflag:s18] =	ssyncadd.s32 $0xFFFFFFB0  }
0x141: {  	_ =	swait.ge [sflag:s18], $0x50  }
0x142: {  	[sflag:s18] =	ssyncset.done $0x0  }
0x143: {  	[sflag:s18] =	ssyncadd.s32 $0xFFFFFFB0  }
0x144: {  	[tilespmem:s17], [sflag:$0x1] =	stream.indirect.gather [hbm4b:s11+s22], $0x80, s28, s22, $0xb8;
	[tilespmem:$0x1DC80] =	vst v63  }
0x145: {  	_ =	swait.ge [sflag:s31], $0x2800  }
0x146: {  	[sflag:s31] =	ssyncset.done $0x0  }
0x147: {  	[sflag:s31] =	ssyncadd.s32 $0xFFFFD800;
	s31 =	simm.s32 $0x300  }
0x148: {  	[spmem:s4] =	stream.indirect.scatter.add.f32 [tilespmem:s3], [sflag:$0x7], $0x80, s31, s22, $0xb8;
	[tilespmem:$0x1DC80] =	vst v63  }
0x149: {  	s13 =	sadd.s32 @!p2 s13, s10;
	_ =	swait.ge [sflag:s0], $0x2800  }
0x14a: {  	s13 =	sshrl.u32 @!p2 s13, $0x3;
	[sflag:s0] =	ssyncset.done $0x0  }
0x14b: {  	s14 =	sadd.s32 @!p2 s23, s13;
	s19 =	simm.s32 @!p2 $0x100;
	[sflag:s0] =	ssyncadd.s32 $0xFFFFD800  }
0x14c: {  	[tilespmem:s19], [sflag:$0xB] =	stream.linear.gather @!p2 [hbm4b:s14+s20], $0x50, $0x38;
	[tilespmem:$0x1DC80] =	vst v63  }
0x14d: {  	s13 =	sadd.s32 @!p2 s30, s13;
	s14 =	simm.s32 @!p2 $0x300;
	s19 =	simm.s32 @!p2 $0xA  }
0x14e: {  	[tilespmem:s14], [sflag:$0xB] =	stream.linear.gather @!p2 [hbm4b:s13+s20], $0x50, $0x38;
	[tilespmem:$0x1DC80] =	vst v63  }
0x14f: {  	_ =	swait.ge @!p2 [sflag:s19], $0x50  }
0x150: {  	[sflag:s19] =	ssyncset.done @!p2 $0x0  }
0x151: {  	[sflag:s19] =	ssyncadd.s32 @!p2 $0xFFFFFFB0  }
0x152: {  	_ =	swait.ge @!p2 [sflag:s19], $0x50  }
0x153: {  	[sflag:s19] =	ssyncset.done @!p2 $0x0  }
0x154: {  	s13 =	simm.s32 @!p2 $0x2C00;
	s14 =	simm.s32 @!p2 $0x50;
	[sflag:s19] =	ssyncadd.s32 @!p2 $0xFFFFFFB0  }
0x155: {  	[tilespmem:s13], [sflag:$0x2] =	stream.indirect.gather @!p2 [hbm4b:s11+s14], $0x80, s15, s14, $0xb8;
	[tilespmem:$0x1DC80] =	vst v63  }
0x156: {  	_ =	swait.ge [sflag:s2], $0x2800  }
0x157: {  	[sflag:s2] =	ssyncset.done $0x0  }
0x158: {  	s3 =	simm.s32 $0x8;
	[sflag:s2] =	ssyncadd.s32 $0xFFFFD800  }
0x159: {  	[spmem:s4] =	stream.indirect.scatter.add.f32 [tilespmem:s21], [sflag:$0x8], $0x80, s26, s22, $0xb8;
	[tilespmem:$0x1DC80] =	vst v63  }
0x15a: {  	_ =	swait.ge [sflag:s3], $0x2800  }
0x15b: {  	[sflag:s3] =	ssyncset.done $0x0  }
0x15c: {  	[sflag:s3] =	ssyncadd.s32 $0xFFFFD800  }
0x15d: {  	_ =	swait.ge [sflag:s6], $0x2800  }
0x15e: {  	[sflag:s6] =	ssyncset.done $0x0  }
0x15f: {  	[sflag:s6] =	ssyncadd.s32 $0xFFFFD800  }
0x160: {  	[spmem:s4] =	stream.indirect.scatter.add.f32 [tilespmem:s17], [sflag:$0x5], $0x80, s29, s22, $0xb8;
	[tilespmem:$0x1DC80] =	vst v63  }
0x161: {  	_ =	swait.ge [sflag:s12], $0x2800  }
0x162: {  	[sflag:s12] =	ssyncset.done $0x0  }
0x163: {  	[sflag:s12] =	ssyncadd.s32 $0xFFFFD800  }
0x164: {  	[bflag:$0x0] =	sbarrier.arrive $0xFFFF  }
0x165: {  	s0 =	stileid.u32;
	s1 =	rddreg [dreg:$0x1f]  }
0x166: {  	s13 =	sshll.u32 s0, $0x6;
	s5 =	rddreg [dreg:$0x8];
	s2 =	sshrl.u32 s1, $0x3  }
0x167: {  	s17 =	sor.u32 $0x1C01, s13;
	[smem:$0x7E7] =	sst s2  }
0x168: {  	[hbm:s5], [sflag:s17] =	dma.local [spmem:s2], $0x500  }
0x169: {  	s13 =	sld [smem:$0x7EF];
	_ =	sdelay $0x2  }
0x16a: {  	s10 =	rddreg [dreg:$0x9];
	s8 =	sshrl.u32 s13, $0x3  }
0x16b: {  	[smem:$0x7E8] =	sst s8  }
0x16c: {  	[hbm:s10], [sflag:s17] =	dma.local [spmem:s8], $0x500  }
0x16d: {  	s13 =	sld [smem:$0x7F0];
	_ =	sdelay $0x2  }
0x16e: {  	s12 =	rddreg [dreg:$0xa];
	s11 =	sshrl.u32 s13, $0x3  }
0x16f: {  	[smem:$0x7E9] =	sst s11  }
0x170: {  	[hbm:s12], [sflag:s17] =	dma.local [spmem:s11], $0x500  }
0x171: {  	s13 =	sld [smem:$0x7F1];
	_ =	sdelay $0x2  }
0x172: {  	s14 =	rddreg [dreg:$0xb];
	s13 =	sshrl.u32 s13, $0x3  }
0x173: {  	[smem:$0x7EA] =	sst s13  }
0x174: {  	[hbm:s14], [sflag:s17] =	dma.local [spmem:s13], $0x500  }
0x175: {  	s13 =	sld [smem:$0x7F2];
	_ =	sdelay $0x2  }
0x176: {  	s16 =	rddreg [dreg:$0xc];
	s15 =	sshrl.u32 s13, $0x3  }
0x177: {  	[smem:$0x7EB] =	sst s15  }
0x178: {  	[hbm:s16], [sflag:s17] =	dma.local [spmem:s15], $0x500  }
0x179: {  	s13 =	sld [smem:$0x7F3];
	_ =	sdelay $0x2  }
0x17a: {  	s20 =	rddreg [dreg:$0xd];
	s19 =	sshrl.u32 s13, $0x3  }
0x17b: {  	[smem:$0x7EC] =	sst s19  }
0x17c: {  	[hbm:s20], [sflag:s17] =	dma.local [spmem:s19], $0x500  }
0x17d: {  	s13 =	sld [smem:$0x7F4];
	_ =	sdelay $0x2  }
0x17e: {  	s24 =	rddreg [dreg:$0xe];
	s21 =	sshrl.u32 s13, $0x3  }
0x17f: {  	[smem:$0x7ED] =	sst s21  }
0x180: {  	[hbm:s24], [sflag:s17] =	dma.local [spmem:s21], $0x500  }
0x181: {  	s13 =	sld [smem:$0x7F5];
	_ =	sdelay $0x2  }
0x182: {  	s0 =	sshrl.u32 @!p0 s13, $0x3;
	s13 =	rddreg [dreg:$0xf]  }
0x183: {  	[hbm:s13], [sflag:s17] =	dma.local @!p0 [spmem:s0], $0x500  }
0x184: {  	_ =	swait.ge [sflag:s6], $0x500  }
0x185: {  	[sflag:s6] =	ssyncset.done $0x0  }
0x186: {  	[sflag:s6] =	ssyncadd.s32 $0xFFFFFB00  }
0x187: {  	_ =	swait.ge [sflag:s6], $0x500  }
0x188: {  	[sflag:s6] =	ssyncset.done $0x0  }
0x189: {  	[sflag:s6] =	ssyncadd.s32 $0xFFFFFB00  }
0x18a: {  	_ =	swait.ge [sflag:s6], $0x500  }
0x18b: {  	[sflag:s6] =	ssyncset.done $0x0  }
0x18c: {  	[sflag:s6] =	ssyncadd.s32 $0xFFFFFB00  }
0x18d: {  	_ =	swait.ge [sflag:s6], $0x500  }
0x18e: {  	[sflag:s6] =	ssyncset.done $0x0  }
0x18f: {  	[sflag:s6] =	ssyncadd.s32 $0xFFFFFB00  }
0x190: {  	_ =	swait.ge [sflag:s6], $0x500  }
0x191: {  	[sflag:s6] =	ssyncset.done $0x0  }
0x192: {  	[sflag:s6] =	ssyncadd.s32 $0xFFFFFB00  }
0x193: {  	_ =	swait.ge [sflag:s6], $0x500  }
0x194: {  	[sflag:s6] =	ssyncset.done $0x0  }
0x195: {  	[sflag:s6] =	ssyncadd.s32 $0xFFFFFB00  }
0x196: {  	_ =	swait.ge [sflag:s6], $0x500  }
0x197: {  	[sflag:s6] =	ssyncset.done $0x0  }
0x198: {  	s13 =	simm.s32 @!p1 $0x1;
	[sflag:s6] =	ssyncadd.s32 $0xFFFFFB00  }
0x199: {  	s2 =	simm.s32 $0x380;
	_ =	swait.ge @!p1 [sflag:s13], $0x500  }
0x19a: {  	s5 =	simm.s32 $0x0;
	s8 =	simm.s32 $0x5;
	[sflag:s13] =	ssyncset.done @!p1 $0x0  }
0x19b: {  	s26 =	rddreg [dreg:$0x19];
	[sflag:s13] =	ssyncadd.s32 @!p1 $0xFFFFFB00;
	s13 =	simm.s32 $0x0  }
0x19c: {  	[tilespmem:s29], [sflag:$0x9] =	stream.linear.gather [hbm4b:s26+s13], $0x50, $0x38;
	[tilespmem:$0x1DC80] =	vst v63  }
0x19d: {  	s11 =	simm.s32 $0x200;
	s14 =	simm.s32 $0x0;
	s28 =	rddreg [dreg:$0x1b]  }
0x19e: {  	[tilespmem:s7], [sflag:$0xA] =	stream.linear.gather [hbm4b:s28+s13], $0x50, $0x38;
	[tilespmem:$0x1DC80] =	vst v63  }
0x19f: {  	s19 =	simm.s32 $0x40;
	s24 =	simm.s32 $0x300;
	s29 =	rddreg [dreg:$0x1d]  }
0x1a0: {  	[tilespmem:s31], [sflag:$0xB] =	stream.linear.gather [hbm4b:s29+s13], $0x50, $0x38;
	[tilespmem:$0x1DC80] =	vst v63  }
0x1a1: {  	s16 =	smov.u32 s0;
	s0 =	simm.s32 $0x7;
	s31 =	sand.u32 $0xFE00, s13  }
0x1a2: {  	s6 =	simm.s32 $0x2;
	s10 =	sand.u32 $0x70, s13;
	s15 =	sshrl.u32 s31, $0x2  }
0x1a3: {  	s26 =	simm.s32 $0x1;
	s7 =	simm.s32 $0x2C00;
	s20 =	sor.u32 s10, s15  }
.LBB2_6:
0x1a4: {  	p2 =	sne.s32 s19, $0x9FC0  }
0x1a5: {  	[tilespmem:s20+$0x2C00] =	vst v0;
	s14 =	sadd.s32 $0x10, s14;
	s20 =	smov.u32 s19;
	s19 =	sadd.s32 $0x40, s19  }
.Ltmp2:
0x1a6: {  	(pc) =	sbr.rel @p2 .LBB2_6-.Ltmp2, $4  }
0x1a7: {  	_ = 	snop  }
0x1a8: {  	s20 =	sand.u32 $0xFE00, s20  }
0x1a9: {  	s21 =	sand.u32 $0x70, s14;
	s20 =	sshrl.u32 s20, $0x2  }
0x1aa: {  	s20 =	sor.u32 s21, s20  }
0x1ab: {  	s19 =	simm.s32 $0x40  }
0x1ac: {  	[tilespmem:s20+$0x2C00] =	vst v0;
	s14 =	sor.u32 s10, s15;
	s28 =	sld [smem:$0x7F9];
	s20 =	simm.s32 $0xA  }
.LBB2_8:
0x1ad: {  	p2 =	sne.s32 s19, $0x9FC0  }
0x1ae: {  	[tilespmem:s14+$0x400] =	vst v1;
	s13 =	sadd.s32 $0x10, s13;
	s14 =	smov.u32 s19;
	s19 =	sadd.s32 $0x40, s19  }
.Ltmp3:
0x1af: {  	(pc) =	sbr.rel @p2 .LBB2_8-.Ltmp3, $4  }
0x1b0: {  	_ = 	snop  }
0x1b1: {  	s14 =	sand.u32 $0xFE00, s14  }
0x1b2: {  	s15 =	sand.u32 $0x70, s13;
	s14 =	sshrl.u32 s14, $0x2  }
0x1b3: {  	s14 =	sor.u32 s15, s14  }
0x1b4: {  	s13 =	rddreg [dreg:$0x1f]  }
0x1b5: {  	[tilespmem:s14+$0x400] =	vst v1;
	s10 =	sld [smem:$0x7EF]  }
0x1b6: {  	[spmem:s13] =	stream.linear.scatter [tilespmem:s7], [sflag:$0x2], $0x2800, $0x38;
	[tilespmem:$0x1DC80] =	vst v63  }
0x1b7: {  	s12 =	sld [smem:$0x7F0]  }
0x1b8: {  	[spmem:s10] =	stream.linear.scatter [tilespmem:s7], [sflag:$0x2], $0x2800, $0x38;
	[tilespmem:$0x1DC80] =	vst v63  }
0x1b9: {  	s14 =	sld [smem:$0x7F1]  }
0x1ba: {  	[spmem:s12] =	stream.linear.scatter [tilespmem:s7], [sflag:$0x2], $0x2800, $0x38;
	[tilespmem:$0x1DC80] =	vst v63  }
0x1bb: {  	s15 =	sld [smem:$0x7F2]  }
0x1bc: {  	[spmem:s14] =	stream.linear.scatter [tilespmem:s7], [sflag:$0x2], $0x2800, $0x38;
	[tilespmem:$0x1DC80] =	vst v63  }
0x1bd: {  	s19 =	sld [smem:$0x7F3]  }
0x1be: {  	[spmem:s15] =	stream.linear.scatter [tilespmem:s7], [sflag:$0x2], $0x2800, $0x38;
	[tilespmem:$0x1DC80] =	vst v63  }
0x1bf: {  	s21 =	sld [smem:$0x7F4]  }
0x1c0: {  	[spmem:s19] =	stream.linear.scatter [tilespmem:s7], [sflag:$0x2], $0x2800, $0x38;
	[tilespmem:$0x1DC80] =	vst v63  }
0x1c1: {  	s14 =	sld [smem:$0x7F5]  }
0x1c2: {  	[spmem:s21] =	stream.linear.scatter [tilespmem:s7], [sflag:$0x2], $0x2800, $0x38;
	[tilespmem:$0x1DC80] =	vst v63  }
0x1c3: {  	s13 =	simm.s32 @!p0 $0x2C00  }
0x1c4: {  	[spmem:s14] =	stream.linear.scatter @!p0 [tilespmem:s13], [sflag:$0x2], $0x2800, $0x38;
	[tilespmem:$0x1DC80] =	vst v63  }
0x1c5: {  	_ =	swait.ge [sflag:s6], $0x2800  }
0x1c6: {  	[sflag:s6] =	ssyncset.done $0x0  }
0x1c7: {  	[sflag:s6] =	ssyncadd.s32 $0xFFFFD800  }
0x1c8: {  	_ =	swait.ge [sflag:s6], $0x2800  }
0x1c9: {  	[sflag:s6] =	ssyncset.done $0x0  }
0x1ca: {  	[sflag:s6] =	ssyncadd.s32 $0xFFFFD800  }
0x1cb: {  	_ =	swait.ge [sflag:s6], $0x2800  }
0x1cc: {  	[sflag:s6] =	ssyncset.done $0x0  }
0x1cd: {  	[sflag:s6] =	ssyncadd.s32 $0xFFFFD800  }
0x1ce: {  	_ =	swait.ge [sflag:s6], $0x2800  }
0x1cf: {  	[sflag:s6] =	ssyncset.done $0x0  }
0x1d0: {  	[sflag:s6] =	ssyncadd.s32 $0xFFFFD800  }
0x1d1: {  	_ =	swait.ge [sflag:s6], $0x2800  }
0x1d2: {  	[sflag:s6] =	ssyncset.done $0x0  }
0x1d3: {  	[sflag:s6] =	ssyncadd.s32 $0xFFFFD800  }
0x1d4: {  	_ =	swait.ge [sflag:s6], $0x2800  }
0x1d5: {  	[sflag:s6] =	ssyncset.done $0x0  }
0x1d6: {  	[sflag:s6] =	ssyncadd.s32 $0xFFFFD800  }
0x1d7: {  	_ =	swait.ge [sflag:s6], $0x2800  }
0x1d8: {  	[sflag:s6] =	ssyncset.done $0x0  }
0x1d9: {  	s13 =	simm.s32 @!p1 $0x2;
	[sflag:s6] =	ssyncadd.s32 $0xFFFFD800  }
0x1da: {  	_ =	swait.ge @!p1 [sflag:s13], $0x2800  }
0x1db: {  	[sflag:s13] =	ssyncset.done @!p1 $0x0  }
0x1dc: {  	[sflag:s13] =	ssyncadd.s32 @!p1 $0xFFFFD800  }
0x1dd: {  	[bflag:$0x0] =	sbarrier.arrive $0xFFFF  }
0x1de: {  	s10 =	sld [smem:$0x7FA];
	_ =	sdelay $0x1  }
0x1df: {  	s29 =	simm.s32 $0x0  }
0x1e0: {  	[tilespmem:s2], [sflag:$0xC] =	stream.linear.gather [hbm4b:s10+s29], $0x50, $0x38;
	[tilespmem:$0x1DC80] =	vst v63  }
0x1e1: {  	_ =	swait.ge [sflag:s18], $0x50  }
0x1e2: {  	[sflag:s18] =	ssyncset.done $0x0  }
0x1e3: {  	s6 =	simm.s32 $0x400;
	[sflag:s18] =	ssyncadd.s32 $0xFFFFFFB0  }
0x1e4: {  	[spmem:s4] =	stream.indirect.scatter.add.f32 [tilespmem:s6], [sflag:$0x5], $0x80, s11, s22, $0xb8;
	[tilespmem:$0x1DC80] =	vst v63  }
0x1e5: {  	_ =	swait.ge [sflag:s8], $0x2800  }
0x1e6: {  	s12 =	sld [smem:$0x7F6]  }
0x1e7: {  	[sflag:s8] =	ssyncset.done $0x0  }
0x1e8: {  	[sflag:s8] =	ssyncadd.s32 $0xFFFFD800  }
0x1e9: {  	[tilespmem:s11], [sflag:$0x9] =	stream.linear.gather [hbm4b:s12+s29], $0x50, $0x38;
	[tilespmem:$0x1DC80] =	vst v63  }
0x1ea: {  	_ =	swait.ge [sflag:s20], $0x50  }
0x1eb: {  	[sflag:s20] =	ssyncset.done $0x0  }
0x1ec: {  	s7 =	simm.s32 $0x280;
	s12 =	simm.s32 $0x6;
	[sflag:s20] =	ssyncadd.s32 $0xFFFFFFB0  }
0x1ed: {  	[spmem:s4] =	stream.indirect.scatter.add.f32 [tilespmem:s6], [sflag:$0x6], $0x80, s7, s22, $0xb8;
	[tilespmem:$0x1DC80] =	vst v63  }
0x1ee: {  	_ =	swait.ge [sflag:s12], $0x2800  }
0x1ef: {  	s14 =	sld [smem:$0x7F7]  }
0x1f0: {  	[sflag:s12] =	ssyncset.done $0x0  }
0x1f1: {  	s1 =	simm.s32 $0xB;
	[sflag:s12] =	ssyncadd.s32 $0xFFFFD800  }
0x1f2: {  	[tilespmem:s7], [sflag:$0xA] =	stream.linear.gather [hbm4b:s14+s29], $0x50, $0x38;
	[tilespmem:$0x1DC80] =	vst v63  }
0x1f3: {  	_ =	swait.ge [sflag:s1], $0x50  }
0x1f4: {  	[sflag:s1] =	ssyncset.done $0x0  }
0x1f5: {  	[sflag:s1] =	ssyncadd.s32 $0xFFFFFFB0  }
0x1f6: {  	[spmem:s4] =	stream.indirect.scatter.add.f32 [tilespmem:s6], [sflag:$0x7], $0x80, s24, s22, $0xb8;
	[tilespmem:$0x1DC80] =	vst v63  }
0x1f7: {  	_ =	swait.ge [sflag:s0], $0x2800  }
0x1f8: {  	s15 =	sld [smem:$0x7F8]  }
0x1f9: {  	[sflag:s0] =	ssyncset.done $0x0  }
0x1fa: {  	[sflag:s0] =	ssyncadd.s32 $0xFFFFD800  }
0x1fb: {  	[tilespmem:s24], [sflag:$0xB] =	stream.linear.gather [hbm4b:s15+s29], $0x50, $0x38;
	[tilespmem:$0x1DC80] =	vst v63  }
0x1fc: {  	_ =	swait.ge [sflag:s9], $0x50  }
0x1fd: {  	[sflag:s9] =	ssyncset.done $0x0  }
0x1fe: {  	[sflag:s9] =	ssyncadd.s32 $0xFFFFFFB0  }
0x1ff: {  	[spmem:s4] =	stream.indirect.scatter.add.f32 [tilespmem:s6], [sflag:$0x8], $0x80, s2, s22, $0xb8;
	[tilespmem:$0x1DC80] =	vst v63  }
0x200: {  	_ =	swait.ge [sflag:s3], $0x2800  }
0x201: {  	[sflag:s3] =	ssyncset.done $0x0;
	s21 =	rddreg [dreg:$0x6]  }
0x202: {  	[sflag:s3] =	ssyncadd.s32 $0xFFFFD800;
	s19 =	sadd.s32 $0x0, s21  }
0x203: {  	[tilespmem:s2], [sflag:$0xC] =	stream.linear.gather [hbm4b:s19+s5], $0x50, $0x38;
	[tilespmem:$0x1DC80] =	vst v63  }
0x204: {  	_ =	swait.ge [sflag:s18], $0x50  }
0x205: {  	[sflag:s18] =	ssyncset.done $0x0  }
0x206: {  	[sflag:s18] =	ssyncadd.s32 $0xFFFFFFB0  }
0x207: {  	[spmem:s4] =	stream.indirect.scatter.add.f32 [tilespmem:s6], [sflag:$0x5], $0x80, s11, s22, $0xb8;
	[tilespmem:$0x1DC80] =	vst v63  }
0x208: {  	_ =	swait.ge [sflag:s8], $0x2800  }
0x209: {  	[sflag:s8] =	ssyncset.done $0x0  }
0x20a: {  	s29 =	sadd.s32 $0x0, s28;
	[sflag:s8] =	ssyncadd.s32 $0xFFFFD800  }
0x20b: {  	[tilespmem:s11], [sflag:$0x9] =	stream.linear.gather [hbm4b:s29+s5], $0x50, $0x38;
	[tilespmem:$0x1DC80] =	vst v63  }
0x20c: {  	_ =	swait.ge [sflag:s20], $0x50  }
0x20d: {  	[sflag:s20] =	ssyncset.done $0x0  }
0x20e: {  	[sflag:s20] =	ssyncadd.s32 $0xFFFFFFB0  }
0x20f: {  	[spmem:s4] =	stream.indirect.scatter.add.f32 [tilespmem:s6], [sflag:$0x6], $0x80, s7, s22, $0xb8;
	[tilespmem:$0x1DC80] =	vst v63  }
0x210: {  	_ =	swait.ge [sflag:s12], $0x2800  }
0x211: {  	p2 =	por $0x0, $0x0;
	[sflag:s12] =	ssyncset.done $0x0  }
0x212: {  	s13 =	simm.s32 @p2 $0xB;
	[sflag:s12] =	ssyncadd.s32 $0xFFFFD800  }
0x213: {  	_ =	swait.ge @p2 [sflag:s13], $0x50  }
0x214: {  	s14 =	simm.s32 @p2 $0x400;
	s15 =	simm.s32 @p2 $0x7;
	[sflag:s13] =	ssyncset.done @p2 $0x0  }
0x215: {  	s19 =	simm.s32 @p2 $0x300;
	[sflag:s13] =	ssyncadd.s32 @p2 $0xFFFFFFB0;
	s13 =	simm.s32 @p2 $0x50  }
0x216: {  	[spmem:s4] =	stream.indirect.scatter.add.f32 @p2 [tilespmem:s14], [sflag:$0x7], $0x80, s19, s13, $0xb8;
	[tilespmem:$0x1DC80] =	vst v63  }
0x217: {  	_ =	swait.ge @p2 [sflag:s15], $0x2800  }
0x218: {  	s10 =	sld [smem:$0x7FD];
	_ =	sdelay $0x1  }
0x219: {  	s13 =	simm.s32 @!p2 $0x280;
	s14 =	simm.s32 @!p2 $0xB;
	[sflag:s15] =	ssyncset.done @p2 $0x0  }
0x21a: {  	s19 =	simm.s32 @!p2 $0x0;
	[sflag:s15] =	ssyncadd.s32 @p2 $0xFFFFD800;
	s15 =	sadd.s32 @!p2 $0x0, s10  }
0x21b: {  	[tilespmem:s13], [sflag:$0xA] =	stream.linear.gather @!p2 [hbm4b:s15+s19], $0x50, $0x38;
	[tilespmem:$0x1DC80] =	vst v63  }
0x21c: {  	_ =	swait.ge @!p2 [sflag:s14], $0x50  }
0x21d: {  	s13 =	simm.s32 @!p2 $0x400;
	[sflag:s14] =	ssyncset.done @!p2 $0x0  }
0x21e: {  	s15 =	simm.s32 @!p2 $0x300;
	[sflag:s14] =	ssyncadd.s32 @!p2 $0xFFFFFFB0;
	s14 =	simm.s32 @!p2 $0x50  }
0x21f: {  	[spmem:s4] =	stream.indirect.scatter.add.f32 @!p2 [tilespmem:s13], [sflag:$0x7], $0x80, s15, s14, $0xb8;
	[tilespmem:$0x1DC80] =	vst v63  }
0x220: {  	s13 =	simm.s32 @!p2 $0x7  }
0x221: {  	_ =	swait.ge @!p2 [sflag:s13], $0x2800  }
0x222: {  	s14 =	rddreg [dreg:$0x5];
	[sflag:s13] =	ssyncset.done @!p2 $0x0  }
0x223: {  	[sflag:s13] =	ssyncadd.s32 @!p2 $0xFFFFD800;
	s13 =	sadd.s32 @!p2 $0x0, s14  }
0x224: {  	[tilespmem:s15], [sflag:$0xB] =	stream.linear.gather @!p2 [hbm4b:s13+s19], $0x50, $0x38;
	[tilespmem:$0x1DC80] =	vst v63  }
0x225: {  	_ =	swait.ge [sflag:s9], $0x50  }
0x226: {  	[sflag:s9] =	ssyncset.done $0x0  }
0x227: {  	s31 =	simm.s32 $0xA;
	s13 =	simm.s32 $0x28;
	[sflag:s9] =	ssyncadd.s32 $0xFFFFFFB0  }
.LBB2_10:
0x228: {  	[spmem:s4] =	stream.indirect.scatter.add.f32 [tilespmem:s6], [sflag:$0x8], $0x80, s2, s22, $0xb8;
	[tilespmem:$0x1DC80] =	vst v63  }
0x229: {  	_ =	swait.ge [sflag:s3], $0x2800  }
0x22a: {  	s14 =	smov.u32 s13;
	[sflag:s3] =	ssyncset.done $0x0  }
0x22b: {  	s15 =	sadd.s32 s14, s21;
	[sflag:s3] =	ssyncadd.s32 $0xFFFFD800  }
0x22c: {  	[tilespmem:s2], [sflag:$0xC] =	stream.linear.gather [hbm4b:s15+s5], $0x50, $0x38;
	[tilespmem:$0x1DC80] =	vst v63  }
0x22d: {  	_ =	swait.ge [sflag:s18], $0x50  }
0x22e: {  	[sflag:s18] =	ssyncset.done $0x0  }
0x22f: {  	[sflag:s18] =	ssyncadd.s32 $0xFFFFFFB0  }
0x230: {  	[spmem:s4] =	stream.indirect.scatter.add.f32 [tilespmem:s6], [sflag:$0x5], $0x80, s11, s22, $0xb8;
	[tilespmem:$0x1DC80] =	vst v63  }
0x231: {  	_ =	swait.ge [sflag:s8], $0x2800  }
0x232: {  	[sflag:s8] =	ssyncset.done $0x0  }
0x233: {  	s29 =	sadd.s32 s14, s28;
	[sflag:s8] =	ssyncadd.s32 $0xFFFFD800  }
0x234: {  	[tilespmem:s11], [sflag:$0x9] =	stream.linear.gather [hbm4b:s29+s5], $0x50, $0x38;
	[tilespmem:$0x1DC80] =	vst v63  }
0x235: {  	_ =	swait.ge [sflag:s31], $0x50  }
0x236: {  	[sflag:s31] =	ssyncset.done $0x0  }
0x237: {  	[sflag:s31] =	ssyncadd.s32 $0xFFFFFFB0  }
0x238: {  	[spmem:s4] =	stream.indirect.scatter.add.f32 [tilespmem:s6], [sflag:$0x6], $0x80, s7, s22, $0xb8;
	[tilespmem:$0x1DC80] =	vst v63  }
0x239: {  	_ =	swait.ge [sflag:s12], $0x2800  }
0x23a: {  	p3 =	seq.s32 s14, $0x488;
	[sflag:s12] =	ssyncset.done $0x0  }
0x23b: {  	s15 =	simm.s32 @p3 $0xB;
	[sflag:s12] =	ssyncadd.s32 $0xFFFFD800  }
0x23c: {  	_ =	swait.ge @p3 [sflag:s15], $0x50  }
0x23d: {  	s19 =	simm.s32 @p3 $0x400;
	s20 =	simm.s32 @p3 $0x7;
	[sflag:s15] =	ssyncset.done @p3 $0x0  }
0x23e: {  	s21 =	simm.s32 @p3 $0x300;
	[sflag:s15] =	ssyncadd.s32 @p3 $0xFFFFFFB0;
	s15 =	simm.s32 @p3 $0x50  }
0x23f: {  	[spmem:s4] =	stream.indirect.scatter.add.f32 @p3 [tilespmem:s19], [sflag:$0x7], $0x80, s21, s15, $0xb8;
	[tilespmem:$0x1DC80] =	vst v63  }
0x240: {  	_ =	swait.ge @p3 [sflag:s20], $0x2800  }
0x241: {  	s15 =	simm.s32 @!p3 $0x280;
	s19 =	simm.s32 @!p3 $0xB;
	[sflag:s20] =	ssyncset.done @p3 $0x0  }
0x242: {  	s21 =	simm.s32 @!p3 $0x0;
	[sflag:s20] =	ssyncadd.s32 @p3 $0xFFFFD800;
	s20 =	sadd.s32 @!p3 s14, s10  }
0x243: {  	[tilespmem:s15], [sflag:$0xA] =	stream.linear.gather @!p3 [hbm4b:s20+s21], $0x50, $0x38;
	[tilespmem:$0x1DC80] =	vst v63  }
0x244: {  	_ =	swait.ge @!p3 [sflag:s19], $0x50  }
0x245: {  	s29 =	simm.s32 @!p3 $0x300;
	s15 =	simm.s32 @!p3 $0x400;
	[sflag:s19] =	ssyncset.done @!p3 $0x0  }
0x246: {  	s20 =	simm.s32 @!p3 $0x7;
	[sflag:s19] =	ssyncadd.s32 @!p3 $0xFFFFFFB0;
	s19 =	simm.s32 @!p3 $0x50  }
0x247: {  	[spmem:s4] =	stream.indirect.scatter.add.f32 @!p3 [tilespmem:s15], [sflag:$0x7], $0x80, s29, s19, $0xb8;
	[tilespmem:$0x1DC80] =	vst v63  }
0x248: {  	s13 =	sadd.s32 $0x28, s13;
	_ =	swait.ge @!p3 [sflag:s20], $0x2800  }
0x249: {  	p2 =	sne.s32 s13, $0x4B0;
	s15 =	rddreg [dreg:$0x5];
	[sflag:s20] =	ssyncset.done @!p3 $0x0  }
.Ltmp4:
0x24a: {  	[sflag:s20] =	ssyncadd.s32 @!p3 $0xFFFFD800;
	s14 =	sadd.s32 @!p3 s14, s15;
	(pc) =	sbr.rel @p2 .LBB2_10-.Ltmp4, $4  }
0x24b: {  	[tilespmem:s29], [sflag:$0xB] =	stream.linear.gather @!p3 [hbm4b:s14+s21], $0x50, $0x38;
	[tilespmem:$0x1DC80] =	vst v63  }
0x24c: {  	s21 =	rddreg [dreg:$0x6];
	_ =	swait.ge [sflag:s9], $0x50  }
0x24d: {  	[sflag:s9] =	ssyncset.done $0x0  }
0x24e: {  	[sflag:s9] =	ssyncadd.s32 $0xFFFFFFB0  }
0x24f: {  	[spmem:s4] =	stream.indirect.scatter.add.f32 [tilespmem:s6], [sflag:$0x8], $0x80, s2, s22, $0xb8;
	[tilespmem:$0x1DC80] =	vst v63  }
0x250: {  	_ =	swait.ge [sflag:s3], $0x2800  }
0x251: {  	[sflag:s3] =	ssyncset.done $0x0  }
0x252: {  	[sflag:s3] =	ssyncadd.s32 $0xFFFFD800  }
0x253: {  	_ =	swait.ge [sflag:s18], $0x50  }
0x254: {  	[sflag:s18] =	ssyncset.done $0x0  }
0x255: {  	[sflag:s18] =	ssyncadd.s32 $0xFFFFFFB0  }
0x256: {  	[spmem:s4] =	stream.indirect.scatter.add.f32 [tilespmem:s6], [sflag:$0x5], $0x80, s11, s22, $0xb8;
	[tilespmem:$0x1DC80] =	vst v63  }
0x257: {  	_ =	swait.ge [sflag:s8], $0x2800  }
0x258: {  	[sflag:s8] =	ssyncset.done $0x0  }
0x259: {  	[sflag:s8] =	ssyncadd.s32 $0xFFFFD800  }
0x25a: {  	[bflag:$0x0] =	sbarrier.arrive $0xFFFF  }
0x25b: {  	s0 =	sld [smem:$0x7E7];
	_ =	sdelay $0x1  }
0x25c: {  	s13 =	rddreg [dreg:$0x10]  }
0x25d: {  	[hbm:s13], [sflag:s17] =	dma.local [spmem:s0], $0x500  }
0x25e: {  	s0 =	sld [smem:$0x7E8];
	_ =	sdelay $0x1  }
0x25f: {  	s13 =	rddreg [dreg:$0x11]  }
0x260: {  	[hbm:s13], [sflag:s17] =	dma.local [spmem:s0], $0x500  }
0x261: {  	s0 =	sld [smem:$0x7E9];
	_ =	sdelay $0x1  }
0x262: {  	s13 =	rddreg [dreg:$0x12]  }
0x263: {  	[hbm:s13], [sflag:s17] =	dma.local [spmem:s0], $0x500  }
0x264: {  	s0 =	sld [smem:$0x7EA];
	_ =	sdelay $0x1  }
0x265: {  	s13 =	rddreg [dreg:$0x13]  }
0x266: {  	[hbm:s13], [sflag:s17] =	dma.local [spmem:s0], $0x500  }
0x267: {  	s0 =	sld [smem:$0x7EB];
	_ =	sdelay $0x1  }
0x268: {  	s13 =	rddreg [dreg:$0x14]  }
0x269: {  	[hbm:s13], [sflag:s17] =	dma.local [spmem:s0], $0x500  }
0x26a: {  	s0 =	sld [smem:$0x7EC];
	_ =	sdelay $0x1  }
0x26b: {  	s13 =	rddreg [dreg:$0x15]  }
0x26c: {  	[hbm:s13], [sflag:s17] =	dma.local [spmem:s0], $0x500  }
0x26d: {  	s0 =	sld [smem:$0x7ED];
	_ =	sdelay $0x1  }
0x26e: {  	s13 =	rddreg [dreg:$0x16]  }
0x26f: {  	[hbm:s13], [sflag:s17] =	dma.local [spmem:s0], $0x500  }
0x270: {  	s13 =	rddreg [dreg:$0x17]  }
0x271: {  	[hbm:s13], [sflag:s17] =	dma.local @!p0 [spmem:s16], $0x500  }
0x272: {  	_ =	swait.ge [sflag:s26], $0x500  }
0x273: {  	[sflag:s26] =	ssyncset.done $0x0  }
0x274: {  	[sflag:s26] =	ssyncadd.s32 $0xFFFFFB00  }
0x275: {  	_ =	swait.ge [sflag:s26], $0x500  }
0x276: {  	[sflag:s26] =	ssyncset.done $0x0  }
0x277: {  	[sflag:s26] =	ssyncadd.s32 $0xFFFFFB00  }
0x278: {  	_ =	swait.ge [sflag:s26], $0x500  }
0x279: {  	[sflag:s26] =	ssyncset.done $0x0  }
0x27a: {  	[sflag:s26] =	ssyncadd.s32 $0xFFFFFB00  }
0x27b: {  	_ =	swait.ge [sflag:s26], $0x500  }
0x27c: {  	[sflag:s26] =	ssyncset.done $0x0  }
0x27d: {  	[sflag:s26] =	ssyncadd.s32 $0xFFFFFB00  }
0x27e: {  	_ =	swait.ge [sflag:s26], $0x500  }
0x27f: {  	[sflag:s26] =	ssyncset.done $0x0  }
0x280: {  	[sflag:s26] =	ssyncadd.s32 $0xFFFFFB00  }
0x281: {  	_ =	swait.ge [sflag:s26], $0x500  }
0x282: {  	[sflag:s26] =	ssyncset.done $0x0  }
0x283: {  	[sflag:s26] =	ssyncadd.s32 $0xFFFFFB00  }
0x284: {  	_ =	swait.ge [sflag:s26], $0x500  }
0x285: {  	[sflag:s26] =	ssyncset.done $0x0  }
0x286: {  	s13 =	simm.s32 @!p1 $0x1;
	[sflag:s26] =	ssyncadd.s32 $0xFFFFFB00  }
0x287: {  	_ =	swait.ge @!p1 [sflag:s13], $0x500  }
0x288: {  	s21 =	sld [smem:$0x7EE];
	_ =	sdelay $0x2  }
0x289: {  	s14 =	rddreg [dreg:$0x1e];
	s3 =	sadd.s32 $0x1, s21  }
0x28a: {  	p2 =	sne.s32 s3, s14  }
.Ltmp5:
0x28b: {  	_ = 	snop;
	(pc) =	sbr.rel @p2 .LBB2_1-.Ltmp5, $4  }
0x28c: {  	_ = 	snop  }
0x28d: {  	[sflag:s13] =	ssyncset.done @!p1 $0x0;
	s20 =	sld [smem:$0x7FB]  }
0x28e: {  	s29 =	smov.u32 s25;
	s28 =	sld [smem:$0x7FC];
	[sflag:s13] =	ssyncadd.s32 @!p1 $0xFFFFFB00  }
0x28f: {  	s25 =	simm.s32 $0x80;
	s31 =	simm.s32 $0x2C00;
	s0 =	rddreg [dreg:$0x0]  }
0x290: {  	_ =	sfence.sel $0x180000  }
0x291: {  	[bflag:$0x0] =	sbarrier.arrive $0xFFFF  }
0x292: {  	_ =	strace $0x90000047  }
0x293: {  	s0 =	stileid.u32;
	[bflag:$0x2] =	sbarrier.arrive $0xFFFF  }
0x294: {  	p0 =	sne.s32 s0, $0x0;
	s0 =	rddreg [dreg:$0x4]  }
0x295: {  	s0 =	sadd.s32 @!p0 $0x100000, s0  }
0x296: {  	[sflag:s0] =	ssyncadd.tile.s32 @!p0 $0x1;
	_ =	shalt  }
.Lfunc_end2:
_tile_overlayer_lowered:
.L_overlay_start_2:
0x297: {  	(tag) =	ssettag $0x2  }
0x298: {  	s0 =	rddreg [dreg:$0x0];
	s2 =	stileid.u32  }
0x299: {  	s1 =	rddreg [dreg:$0x1];
	p0 =	sne.s32 s2, $0x0  }
0x29a: {  	s3 =	rddreg [dreg:$0x2];
	[bflag:$0x3] =	sbarrier.arrive $0xFFFF;
	s2 =	simm.s32 @!p0 $0x1C0D  }
0x29b: {  	[timem:s3], [sflag:s2] =	dma.local @!p0 [hbm:s0], s1  }
0x29c: {  	s0 =	simm.s32 @!p0 $0xD  }
0x29d: {  	_ =	swait.ge @!p0 [sflag:s0], s1  }
0x29e: {  	s1 =	ssub.s32 @!p0 $0x0, s1;
	[sflag:s0] =	ssyncset.done @!p0 $0x0  }
0x29f: {  	[sflag:s0] =	ssyncadd.s32 @!p0 s1  }
0x2a0: {  	[bflag:$0x3] =	sbarrier.arrive $0xFFFF  }
0x2a1: {  	_ =	shalt  }

</sc_bundles>
